<compile_context>
chip_gen: v7x
topology: tpu7x:2x2x1
jax: 0.10.2.dev20260603
libtpu: 0.0.44.dev20260713+nightly
codegen_flags: <defaults>
</compile_context>

<pallas_src>
import functools
import math

import jax
import jax.numpy as jnp
from jax import lax
from jax.experimental import pallas as pl
from jax.experimental.pallas import tpu as pltpu
from jax.experimental.pallas import tpu_sc as plsc

B = 128
L = 4096
F = L // 2
NW = 32
BINS_W = F // NW
WIN = 384
NG = 6
SCR = 16 * NG
SQ = float(1.0 / math.sqrt(2.0))


def _sc_body(x_hbm, out_hbm, xloc, am, az, ap, aq, ar, rowbuf, outstage):
    wid = lax.axis_index("s") * 2 + lax.axis_index("c")
    cstart = jnp.minimum(jnp.maximum(wid * 128 - 128, 0), L - WIN)
    fstart = cstart // 2
    own_lb0 = wid * BINS_W - fstart
    gbase = jnp.minimum(jnp.maximum(own_lb0 // 16 - 1, 0), WIN // 32 - NG)

    cstart = pl.multiple_of(cstart, 128)
    pltpu.sync_copy(x_hbm.at[:, pl.ds(cstart, WIN)], xloc)

    lane = lax.iota(jnp.int32, 16)

    for g in range(NG):
        ce = lane * 2 + 32 * (gbase + g)
        co = ce + 1

        def fold(j, carry):
            vm, vz, vp, vq, vr = carry
            jv = jnp.full((16,), 0, jnp.int32) + j
            ev = plsc.load_gather(xloc, [jv, ce])
            od = plsc.load_gather(xloc, [jv, co])
            aa = ev + od
            dd = ev - od
            neg_a = plsc.bitcast(aa, jnp.int32) < 0
            neg_d = plsc.bitcast(dd, jnp.int32) < 0
            mcls = jnp.logical_and(neg_a, jnp.logical_not(neg_d))
            pcls = jnp.logical_and(neg_d, jnp.logical_not(neg_a))
            zcls = jnp.logical_not(jnp.logical_xor(neg_a, neg_d))
            vm = jnp.where(mcls, aa, vm)
            vz = jnp.where(zcls, aa, vz)
            vp = jnp.where(pcls, aa, vp)
            vq = jnp.where(jnp.logical_not(pcls), aa, vq)
            vr = jnp.where(jnp.logical_not(mcls), aa, vr)
            return vm, vz, vp, vq, vr

        zero = jnp.zeros((16,), jnp.float32)
        vm, vz, vp, vq, vr = lax.fori_loop(
            0, B, fold, (zero, zero, zero, zero, zero))
        sl = pl.ds(16 * g, 16)
        am[sl] = vm * SQ
        az[sl] = vz * SQ
        ap[sl] = vp * SQ
        aq[sl] = vq * SQ
        ar[sl] = vr * SQ

    j127 = jnp.full((16,), B - 1, jnp.int32)
    for og in range(BINS_W // 16):
        lb = own_lb0 + 16 * og + lane
        slb = lb - 16 * gbase
        binv = wid * BINS_W + 16 * og + lane
        slbm1 = jnp.maximum(slb - 1, 0)
        slbp1 = jnp.minimum(slb + 1, SCR - 1)
        apv = plsc.load_gather(ap, [slbm1])
        azv = plsc.load_gather(az, [slb])
        amv = plsc.load_gather(am, [slbp1])
        add0 = apv + azv + amv
        aqv = plsc.load_gather(aq, [slb])
        arv = plsc.load_gather(ar, [slb])
        add0 = jnp.where(binv == 0, aqv + amv, add0)
        add0 = jnp.where(binv == F - 1, arv + apv, add0)
        ev = plsc.load_gather(xloc, [j127, lb * 2])
        od = plsc.load_gather(xloc, [j127, lb * 2 + 1])
        add1 = (ev - od) * SQ
        idxa = 32 * og + lane * 2
        plsc.store_scatter(rowbuf, [idxa], add0)
        plsc.store_scatter(rowbuf, [idxa + 1], add1)

    rvs = [rowbuf[pl.ds(16 * k, 16)] for k in range(8)]

    def rep(r, carry):
        rv = jnp.full((16,), 0, jnp.int32) + r
        for k in range(8):
            plsc.store_scatter(outstage, [rv, lane + 16 * k], rvs[k])
        return carry

    lax.fori_loop(0, B, rep, 0)
    ostart = pl.multiple_of(wid * 128, 128)
    pltpu.sync_copy(outstage, out_hbm.at[:, pl.ds(ostart, 128)])


@functools.partial(
    pl.kernel,
    mesh=plsc.VectorSubcoreMesh(core_axis_name="c", subcore_axis_name="s"),
    out_type=jax.ShapeDtypeStruct((B, L), jnp.float32),
    compiler_params=pltpu.CompilerParams(needs_layout_passes=False),
    scratch_types=[
        pltpu.VMEM((B, WIN), jnp.float32),
        pltpu.VMEM((SCR,), jnp.float32),
        pltpu.VMEM((SCR,), jnp.float32),
        pltpu.VMEM((SCR,), jnp.float32),
        pltpu.VMEM((SCR,), jnp.float32),
        pltpu.VMEM((SCR,), jnp.float32),
        pltpu.VMEM((128,), jnp.float32),
        pltpu.VMEM((B, 128), jnp.float32),
    ],
)
def _sst_sc(x_hbm, out_hbm, *scratch):
    _sc_body(x_hbm, out_hbm, *scratch)


def kernel(x):
    out2d = _sst_sc(x)
    return out2d.reshape(B, F, 2)

# --- scband reference (transcript-rebuilt; emitter-appended) ---
"""Pipeline reference for scband-sstmodel-76630806495407 (READ-ONLY COPY).

The authoritative reference and input builder live on the scoring server;
editing this copy changes nothing except your own understanding.
"""

import jax, jax.numpy as jnp
import numpy as np

B = 128
L = 4096


def setup_inputs(seed: int = 0):
    key = jax.random.key(seed)
    x = jax.random.normal(key, (B, L), dtype=jnp.float32)
    return {"x": x}


def _haar_dwt_level1(x):
    # pywt.wavedec(x, 'haar', level=1): for even-length signals this is exactly
    # cA[k] = (x[2k] + x[2k+1]) / sqrt(2), cD[k] = (x[2k] - x[2k+1]) / sqrt(2)
    s = jnp.float32(np.sqrt(2.0))
    even = x[:, 0::2]
    odd = x[:, 1::2]
    cA = (even + odd) / s
    cD = (even - odd) / s
    return cA, cD


def _forward(x):
    cA, cD = _haar_dwt_level1(x)
    # each coeff array is [F], unsqueezed to [F,1] and concatenated along dim=1 -> [F,2]; stacked over batch -> [B,F,2]
    coeffs = jnp.stack([cA, cD], axis=-1)
    Bn, F, T = coeffs.shape
    # torch.angle of a real tensor: pi for negative entries, 0 otherwise
    ang = jnp.angle(coeffs)
    inst = jnp.diff(ang, axis=-1)
    inst = jnp.pad(inst, ((0, 0), (0, 0), (0, 1)))
    # The torch double loop performs, for each (f, t):
    #   k = clamp((f + clamp(IF[:, f, t], -1, 1)).long(), 0, F-1)   # shape [B]
    #   sst[:, k, t] += coeffs[:, f, t]
    # which is a read + non-accumulating index_put_ (last duplicate index wins, CPU order).
    # Net effect per step: sst[:, p, t] += V[j_last(p), f] for p in image(k), identical across batch rows
    # (sst starts at zeros). Steps over f are additive, so the loop vectorizes exactly as below.
    f_idx = jnp.arange(F, dtype=jnp.float32)[None, :]
    adds = []
    for t in range(T):
        IF_t = inst[:, :, t]
        V_t = coeffs[:, :, t]
        freq_adj = jnp.clip(IF_t, -1.0, 1.0)
        k = jnp.clip((f_idx + freq_adj).astype(jnp.int32), 0, F - 1)  # [B, F]
        f_grid = jnp.broadcast_to(jnp.arange(F, dtype=jnp.int32)[None, :], (Bn, F))
        flat_idx = (f_grid * F + k).reshape(-1)
        j_vals = jnp.broadcast_to(jnp.arange(Bn, dtype=jnp.int32)[:, None], (Bn, F)).reshape(-1)
        # per-f last-write-wins index: max batch index j that scattered into bin p at step f
        JL = jnp.full((F * F,), -1, dtype=jnp.int32).at[flat_idx].max(j_vals).reshape(F, F)
        M = jnp.take_along_axis(V_t.T, jnp.clip(JL, 0, Bn - 1), axis=1)  # M[f, p] = V_t[JL[f, p], f]
        add_t = jnp.sum(jnp.where(JL >= 0, M, jnp.float32(0.0)), axis=0)  # [F]
        adds.append(add_t)
    sst_pf = jnp.stack(adds, axis=-1)  # [F, T]
    sst = jnp.broadcast_to(sst_pf[None, :, :], (Bn, F, T))
    return sst


def reference(x):
    return _forward(x)

if __name__ == "__main__":
    import jax
    _d = setup_inputs()
    print(jax.jit(kernel)(*tuple(_d.values())))

</pallas_src>

<mosaic_0001>
#map = affine_map<(d0, d1) -> (0, 0)>
module attributes {stable_mosaic.version = 14 : i64} {
  func.func @_sst_sc(%arg0: i32, %arg1: i32, %arg2: memref<128x4096xf32, #tpu.memory_space<hbm>>, %arg3: memref<128x4096xf32, #tpu.memory_space<hbm>>, %arg4: memref<128x384xf32, #tpu.memory_space<vmem>>, %arg5: memref<96xf32, #tpu.memory_space<vmem>>, %arg6: memref<96xf32, #tpu.memory_space<vmem>>, %arg7: memref<96xf32, #tpu.memory_space<vmem>>, %arg8: memref<96xf32, #tpu.memory_space<vmem>>, %arg9: memref<96xf32, #tpu.memory_space<vmem>>, %arg10: memref<128xf32, #tpu.memory_space<vmem>>, %arg11: memref<128x128xf32, #tpu.memory_space<vmem>>) attributes {dimension_semantics = [#tpu.dimension_semantics<core_parallel>, #tpu.dimension_semantics<subcore_parallel>], iteration_bounds = array<i64: 2, 16>, scalar_prefetch = 0 : i64, scratch_operands = 8 : i64, tpu.core_type = #tpu.core_type<sc_vector_subcore>, window_params = [{transform_indices = #map}, {transform_indices = #map}]} {
    %mul3A = arith.constant 2 : i32
    %mul3A_0 = arith.muli %arg1, %mul3A : i32
    %add3A = arith.addi %mul3A_0, %arg0 : i32
    %mul3A_1 = arith.constant 128 : i32
    %mul3A_2 = arith.muli %add3A, %mul3A_1 : i32
    %sub3A = arith.constant 128 : i32
    %sub3A_3 = arith.subi %mul3A_2, %sub3A : i32
    %max3A = arith.constant 0 : i32
    %max3A_4 = arith.maxsi %sub3A_3, %max3A : i32
    %min3A = arith.constant 3712 : i32
    %min3A_5 = arith.minsi %max3A_4, %min3A : i32
    %jit3A = arith.constant 2 : i32
    %div3A = arith.divsi %min3A_5, %jit3A : i32
    %sign3A = arith.constant 0 : i32
    %sign3A_6 = arith.cmpi sgt, %min3A_5, %sign3A : i32
    %sign3A_7 = arith.extui %sign3A_6 : i1 to i32
    %sign3A_8 = arith.constant 0 : i32
    %sign3A_9 = arith.cmpi slt, %min3A_5, %sign3A_8 : i32
    %sign3A_10 = arith.extui %sign3A_9 : i1 to i32
    %sign3A_11 = arith.subi %sign3A_7, %sign3A_10 : i32
    %sign3A_12 = arith.constant 0 : i32
    %sign3A_13 = arith.cmpi sgt, %jit3A, %sign3A_12 : i32
    %sign3A_14 = arith.extui %sign3A_13 : i1 to i32
    %sign3A_15 = arith.constant 0 : i32
    %sign3A_16 = arith.cmpi slt, %jit3A, %sign3A_15 : i32
    %sign3A_17 = arith.extui %sign3A_16 : i1 to i32
    %sign3A_18 = arith.subi %sign3A_14, %sign3A_17 : i32
    %ne3A = arith.cmpi ne, %sign3A_11, %sign3A_18 : i32
    %rem3A = arith.remsi %min3A_5, %jit3A : i32
    %ne3A_19 = arith.constant 0 : i32
    %ne3A_20 = arith.cmpi ne, %rem3A, %ne3A_19 : i32
    %and3A = arith.andi %ne3A, %ne3A_20 : i1
    %sub3A_21 = arith.constant 1 : i32
    %sub3A_22 = arith.subi %div3A, %sub3A_21 : i32
    %select_n3A = arith.select %and3A, %sub3A_22, %div3A : i32
    %mul3A_23 = arith.constant 64 : i32
    %mul3A_24 = arith.muli %add3A, %mul3A_23 : i32
    %sub3A_25 = arith.subi %mul3A_24, %select_n3A : i32
    %jit3A_26 = arith.constant 16 : i32
    %div3A_27 = arith.divsi %sub3A_25, %jit3A_26 : i32
    %sign3A_28 = arith.constant 0 : i32
    %sign3A_29 = arith.cmpi sgt, %sub3A_25, %sign3A_28 : i32
    %sign3A_30 = arith.extui %sign3A_29 : i1 to i32
    %sign3A_31 = arith.constant 0 : i32
    %sign3A_32 = arith.cmpi slt, %sub3A_25, %sign3A_31 : i32
    %sign3A_33 = arith.extui %sign3A_32 : i1 to i32
    %sign3A_34 = arith.subi %sign3A_30, %sign3A_33 : i32
    %sign3A_35 = arith.constant 0 : i32
    %sign3A_36 = arith.cmpi sgt, %jit3A_26, %sign3A_35 : i32
    %sign3A_37 = arith.extui %sign3A_36 : i1 to i32
    %sign3A_38 = arith.constant 0 : i32
    %sign3A_39 = arith.cmpi slt, %jit3A_26, %sign3A_38 : i32
    %sign3A_40 = arith.extui %sign3A_39 : i1 to i32
    %sign3A_41 = arith.subi %sign3A_37, %sign3A_40 : i32
    %ne3A_42 = arith.cmpi ne, %sign3A_34, %sign3A_41 : i32
    %rem3A_43 = arith.remsi %sub3A_25, %jit3A_26 : i32
    %ne3A_44 = arith.constant 0 : i32
    %ne3A_45 = arith.cmpi ne, %rem3A_43, %ne3A_44 : i32
    %and3A_46 = arith.andi %ne3A_42, %ne3A_45 : i1
    %sub3A_47 = arith.constant 1 : i32
    %sub3A_48 = arith.subi %div3A_27, %sub3A_47 : i32
    %select_n3A_49 = arith.select %and3A_46, %sub3A_48, %div3A_27 : i32
    %sub3A_50 = arith.constant 1 : i32
    %sub3A_51 = arith.subi %select_n3A_49, %sub3A_50 : i32
    %max3A_52 = arith.constant 0 : i32
    %max3A_53 = arith.maxsi %sub3A_51, %max3A_52 : i32
    %min3A_54 = arith.constant 6 : i32
    %min3A_55 = arith.minsi %max3A_53, %min3A_54 : i32
    %multiple_of3A = tpu.assume_multiple %min3A_5, 128 : i32
    "tpu.region"() ({
      %run_scoped3A = tpu.sem_alloc : memref<!tpu.dma_semaphore, #tpu.memory_space<semaphore_mem>>
      %dma_start3A = arith.constant 0 : i32
      %dma_start3A_615 = tpu.memref_slice %arg2[%dma_start3A, %multiple_of3A] : memref<128x4096xf32, #tpu.memory_space<hbm>> -> memref<128x384xf32, #tpu.memory_space<hbm>>
      %dma_start3A_616 = arith.constant 0 : i32
      %dma_start3A_617 = tpu.memref_slice %arg2[%dma_start3A_616, %multiple_of3A] : memref<128x4096xf32, #tpu.memory_space<hbm>> -> memref<128x384xf32, #tpu.memory_space<hbm>>
      tpu.enqueue_dma source(%dma_start3A_617 : memref<128x384xf32, #tpu.memory_space<hbm>>) target(%arg4 : memref<128x384xf32, #tpu.memory_space<vmem>>) target_semaphore(%run_scoped3A : memref<!tpu.dma_semaphore, #tpu.memory_space<semaphore_mem>>)
      %dma_wait3A = arith.constant 0 : i32
      %dma_wait3A_618 = tpu.memref_slice %arg2[%dma_wait3A, %multiple_of3A] : memref<128x4096xf32, #tpu.memory_space<hbm>> -> memref<128x384xf32, #tpu.memory_space<hbm>>
      %dma_wait3A_619 = arith.constant 0 : i32
      %dma_wait3A_620 = tpu.memref_slice %arg2[%dma_wait3A_619, %multiple_of3A] : memref<128x4096xf32, #tpu.memory_space<hbm>> -> memref<128x384xf32, #tpu.memory_space<hbm>>
      tpu.wait_dma2 semaphore(%run_scoped3A : memref<!tpu.dma_semaphore, #tpu.memory_space<semaphore_mem>>) src(%dma_wait3A_620 : memref<128x384xf32, #tpu.memory_space<hbm>>) dst(%arg4 : memref<128x384xf32, #tpu.memory_space<vmem>>)
      tpu.yield
    }) : () -> ()
    %iota3A = tpu.iota {dimensions = array<i32: 0>} : vector<16xi32>
    %mul3A_56 = arith.constant 2 : i32
    %mul3A_57 = vector.broadcast %mul3A_56 : i32 to vector<16xi32>
    %mul3A_58 = arith.muli %iota3A, %mul3A_57 : vector<16xi32>
    %add3A_59 = arith.constant 0 : i32
    %add3A_60 = arith.addi %min3A_55, %add3A_59 : i32
    %mul3A_61 = arith.constant 32 : i32
    %mul3A_62 = arith.muli %mul3A_61, %add3A_60 : i32
    %add3A_63 = vector.broadcast %mul3A_62 : i32 to vector<16xi32>
    %add3A_64 = arith.addi %mul3A_58, %add3A_63 : vector<16xi32>
    %add3A_65 = arith.constant 1 : i32
    %add3A_66 = vector.broadcast %add3A_65 : i32 to vector<16xi32>
    %add3A_67 = arith.addi %add3A_64, %add3A_66 : vector<16xi32>
    %broadcast_in_dim3A = arith.constant 0.000000e+00 : f32
    %broadcast_in_dim3A_68 = vector.broadcast %broadcast_in_dim3A : f32 to vector<16xf32>
    %scan3A = arith.constant 0 : i32
    %scan3A_69 = arith.constant 128 : i32
    %scan3A_70 = arith.addi %scan3A, %scan3A_69 : i32
    %scan3A_71 = arith.constant 1 : i32
    %scan3A_72:5 = scf.for %scan3A_615 = %scan3A to %scan3A_70 step %scan3A_71 iter_args(%scan3A_616 = %broadcast_in_dim3A_68, %scan3A_617 = %broadcast_in_dim3A_68, %scan3A_618 = %broadcast_in_dim3A_68, %scan3A_619 = %broadcast_in_dim3A_68, %scan3A_620 = %broadcast_in_dim3A_68) -> (vector<16xf32>, vector<16xf32>, vector<16xf32>, vector<16xf32>, vector<16xf32>)  : i32 {
      %broadcast_in_dim3A_621 = arith.constant 0 : i32
      %broadcast_in_dim3A_622 = vector.broadcast %broadcast_in_dim3A_621 : i32 to vector<16xi32>
      %add3A_623 = vector.broadcast %scan3A_615 : i32 to vector<16xi32>
      %add3A_624 = arith.addi %broadcast_in_dim3A_622, %add3A_623 : vector<16xi32>
      %gather3A_625 = tpu.vector_load_idx %arg4[%add3A_624, %add3A_64] : memref<128x384xf32, #tpu.memory_space<vmem>>[vector<16xi32>, vector<16xi32>], vector<16xf32>,
      %gather3A_626 = tpu.vector_load_idx %arg4[%add3A_624, %add3A_67] : memref<128x384xf32, #tpu.memory_space<vmem>>[vector<16xi32>, vector<16xi32>], vector<16xf32>,
      %add3A_627 = arith.addf %gather3A_625, %gather3A_626 : vector<16xf32>
      %sub3A_628 = arith.subf %gather3A_625, %gather3A_626 : vector<16xf32>
      %bitcast3A = vector.bitcast %add3A_627 : vector<16xf32> to vector<16xi32>
      %lt3A = arith.constant 0 : i32
      %lt3A_629 = vector.broadcast %lt3A : i32 to vector<16xi32>
      %lt3A_630 = arith.cmpi slt, %bitcast3A, %lt3A_629 : vector<16xi32>
      %bitcast3A_631 = vector.bitcast %sub3A_628 : vector<16xf32> to vector<16xi32>
      %lt3A_632 = arith.constant 0 : i32
      %lt3A_633 = vector.broadcast %lt3A_632 : i32 to vector<16xi32>
      %lt3A_634 = arith.cmpi slt, %bitcast3A_631, %lt3A_633 : vector<16xi32>
      %not3A = arith.constant dense<true> : vector<16xi1>
      %not3A_635 = arith.xori %lt3A_634, %not3A : vector<16xi1>
      %and3A_636 = arith.andi %lt3A_630, %not3A_635 : vector<16xi1>
      %not3A_637 = arith.constant dense<true> : vector<16xi1>
      %not3A_638 = arith.xori %lt3A_630, %not3A_637 : vector<16xi1>
      %and3A_639 = arith.andi %lt3A_634, %not3A_638 : vector<16xi1>
      %xor3A = arith.xori %lt3A_630, %lt3A_634 : vector<16xi1>
      %not3A_640 = arith.constant dense<true> : vector<16xi1>
      %not3A_641 = arith.xori %xor3A, %not3A_640 : vector<16xi1>
      %select_n3A_642 = arith.select %and3A_636, %add3A_627, %scan3A_616 : vector<16xi1>, vector<16xf32>
      %select_n3A_643 = arith.select %not3A_641, %add3A_627, %scan3A_617 : vector<16xi1>, vector<16xf32>
      %select_n3A_644 = arith.select %and3A_639, %add3A_627, %scan3A_618 : vector<16xi1>, vector<16xf32>
      %not3A_645 = arith.constant dense<true> : vector<16xi1>
      %not3A_646 = arith.xori %and3A_639, %not3A_645 : vector<16xi1>
      %select_n3A_647 = arith.select %not3A_646, %add3A_627, %scan3A_619 : vector<16xi1>, vector<16xf32>
      %not3A_648 = arith.constant dense<true> : vector<16xi1>
      %not3A_649 = arith.xori %and3A_636, %not3A_648 : vector<16xi1>
      %select_n3A_650 = arith.select %not3A_649, %add3A_627, %scan3A_620 : vector<16xi1>, vector<16xf32>
      scf.yield %select_n3A_642, %select_n3A_643, %select_n3A_644, %select_n3A_647, %select_n3A_650 : vector<16xf32>, vector<16xf32>, vector<16xf32>, vector<16xf32>, vector<16xf32>
    }
    %scan3A_73 = arith.constant 128 : i32
    %mul3A_74 = arith.constant 0.707106769 : f32
    %mul3A_75 = vector.broadcast %mul3A_74 : f32 to vector<16xf32>
    %mul3A_76 = arith.mulf %scan3A_72#0, %mul3A_75 : vector<16xf32>
    %swap3A = arith.constant 0 : index
    %swap3A_77 = tpu.vector_load %arg5[%swap3A] {strides = array<i32>} : memref<96xf32, #tpu.memory_space<vmem>>, vector<16xf32>,
    tpu.vector_store %arg5[%swap3A], %mul3A_76 {strides = array<i32>} : memref<96xf32, #tpu.memory_space<vmem>>, vector<16xf32>,
    %mul3A_78 = arith.constant 0.707106769 : f32
    %mul3A_79 = vector.broadcast %mul3A_78 : f32 to vector<16xf32>
    %mul3A_80 = arith.mulf %scan3A_72#1, %mul3A_79 : vector<16xf32>
    %swap3A_81 = arith.constant 0 : index
    %swap3A_82 = tpu.vector_load %arg6[%swap3A_81] {strides = array<i32>} : memref<96xf32, #tpu.memory_space<vmem>>, vector<16xf32>,
    tpu.vector_store %arg6[%swap3A_81], %mul3A_80 {strides = array<i32>} : memref<96xf32, #tpu.memory_space<vmem>>, vector<16xf32>,
    %mul3A_83 = arith.constant 0.707106769 : f32
    %mul3A_84 = vector.broadcast %mul3A_83 : f32 to vector<16xf32>
    %mul3A_85 = arith.mulf %scan3A_72#2, %mul3A_84 : vector<16xf32>
    %swap3A_86 = arith.constant 0 : index
    %swap3A_87 = tpu.vector_load %arg7[%swap3A_86] {strides = array<i32>} : memref<96xf32, #tpu.memory_space<vmem>>, vector<16xf32>,
    tpu.vector_store %arg7[%swap3A_86], %mul3A_85 {strides = array<i32>} : memref<96xf32, #tpu.memory_space<vmem>>, vector<16xf32>,
    %mul3A_88 = arith.constant 0.707106769 : f32
    %mul3A_89 = vector.broadcast %mul3A_88 : f32 to vector<16xf32>
    %mul3A_90 = arith.mulf %scan3A_72#3, %mul3A_89 : vector<16xf32>
    %swap3A_91 = arith.constant 0 : index
    %swap3A_92 = tpu.vector_load %arg8[%swap3A_91] {strides = array<i32>} : memref<96xf32, #tpu.memory_space<vmem>>, vector<16xf32>,
    tpu.vector_store %arg8[%swap3A_91], %mul3A_90 {strides = array<i32>} : memref<96xf32, #tpu.memory_space<vmem>>, vector<16xf32>,
    %mul3A_93 = arith.constant 0.707106769 : f32
    %mul3A_94 = vector.broadcast %mul3A_93 : f32 to vector<16xf32>
    %mul3A_95 = arith.mulf %scan3A_72#4, %mul3A_94 : vector<16xf32>
    %swap3A_96 = arith.constant 0 : index
    %swap3A_97 = tpu.vector_load %arg9[%swap3A_96] {strides = array<i32>} : memref<96xf32, #tpu.memory_space<vmem>>, vector<16xf32>,
    tpu.vector_store %arg9[%swap3A_96], %mul3A_95 {strides = array<i32>} : memref<96xf32, #tpu.memory_space<vmem>>, vector<16xf32>,
    %mul3A_98 = arith.constant 2 : i32
    %mul3A_99 = vector.broadcast %mul3A_98 : i32 to vector<16xi32>
    %mul3A_100 = arith.muli %iota3A, %mul3A_99 : vector<16xi32>
    %add3A_101 = arith.constant 1 : i32
    %add3A_102 = arith.addi %min3A_55, %add3A_101 : i32
    %mul3A_103 = arith.constant 32 : i32
    %mul3A_104 = arith.muli %mul3A_103, %add3A_102 : i32
    %add3A_105 = vector.broadcast %mul3A_104 : i32 to vector<16xi32>
    %add3A_106 = arith.addi %mul3A_100, %add3A_105 : vector<16xi32>
    %add3A_107 = arith.constant 1 : i32
    %add3A_108 = vector.broadcast %add3A_107 : i32 to vector<16xi32>
    %add3A_109 = arith.addi %add3A_106, %add3A_108 : vector<16xi32>
    %broadcast_in_dim3A_110 = arith.constant 0.000000e+00 : f32
    %broadcast_in_dim3A_111 = vector.broadcast %broadcast_in_dim3A_110 : f32 to vector<16xf32>
    %scan3A_112 = arith.constant 0 : i32
    %scan3A_113 = arith.constant 128 : i32
    %scan3A_114 = arith.addi %scan3A_112, %scan3A_113 : i32
    %scan3A_115 = arith.constant 1 : i32
    %scan3A_116:5 = scf.for %scan3A_615 = %scan3A_112 to %scan3A_114 step %scan3A_115 iter_args(%scan3A_616 = %broadcast_in_dim3A_111, %scan3A_617 = %broadcast_in_dim3A_111, %scan3A_618 = %broadcast_in_dim3A_111, %scan3A_619 = %broadcast_in_dim3A_111, %scan3A_620 = %broadcast_in_dim3A_111) -> (vector<16xf32>, vector<16xf32>, vector<16xf32>, vector<16xf32>, vector<16xf32>)  : i32 {
      %broadcast_in_dim3A_621 = arith.constant 0 : i32
      %broadcast_in_dim3A_622 = vector.broadcast %broadcast_in_dim3A_621 : i32 to vector<16xi32>
      %add3A_623 = vector.broadcast %scan3A_615 : i32 to vector<16xi32>
      %add3A_624 = arith.addi %broadcast_in_dim3A_622, %add3A_623 : vector<16xi32>
      %gather3A_625 = tpu.vector_load_idx %arg4[%add3A_624, %add3A_106] : memref<128x384xf32, #tpu.memory_space<vmem>>[vector<16xi32>, vector<16xi32>], vector<16xf32>,
      %gather3A_626 = tpu.vector_load_idx %arg4[%add3A_624, %add3A_109] : memref<128x384xf32, #tpu.memory_space<vmem>>[vector<16xi32>, vector<16xi32>], vector<16xf32>,
      %add3A_627 = arith.addf %gather3A_625, %gather3A_626 : vector<16xf32>
      %sub3A_628 = arith.subf %gather3A_625, %gather3A_626 : vector<16xf32>
      %bitcast3A = vector.bitcast %add3A_627 : vector<16xf32> to vector<16xi32>
      %lt3A = arith.constant 0 : i32
      %lt3A_629 = vector.broadcast %lt3A : i32 to vector<16xi32>
      %lt3A_630 = arith.cmpi slt, %bitcast3A, %lt3A_629 : vector<16xi32>
      %bitcast3A_631 = vector.bitcast %sub3A_628 : vector<16xf32> to vector<16xi32>
      %lt3A_632 = arith.constant 0 : i32
      %lt3A_633 = vector.broadcast %lt3A_632 : i32 to vector<16xi32>
      %lt3A_634 = arith.cmpi slt, %bitcast3A_631, %lt3A_633 : vector<16xi32>
      %not3A = arith.constant dense<true> : vector<16xi1>
      %not3A_635 = arith.xori %lt3A_634, %not3A : vector<16xi1>
      %and3A_636 = arith.andi %lt3A_630, %not3A_635 : vector<16xi1>
      %not3A_637 = arith.constant dense<true> : vector<16xi1>
      %not3A_638 = arith.xori %lt3A_630, %not3A_637 : vector<16xi1>
      %and3A_639 = arith.andi %lt3A_634, %not3A_638 : vector<16xi1>
      %xor3A = arith.xori %lt3A_630, %lt3A_634 : vector<16xi1>
      %not3A_640 = arith.constant dense<true> : vector<16xi1>
      %not3A_641 = arith.xori %xor3A, %not3A_640 : vector<16xi1>
      %select_n3A_642 = arith.select %and3A_636, %add3A_627, %scan3A_616 : vector<16xi1>, vector<16xf32>
      %select_n3A_643 = arith.select %not3A_641, %add3A_627, %scan3A_617 : vector<16xi1>, vector<16xf32>
      %select_n3A_644 = arith.select %and3A_639, %add3A_627, %scan3A_618 : vector<16xi1>, vector<16xf32>
      %not3A_645 = arith.constant dense<true> : vector<16xi1>
      %not3A_646 = arith.xori %and3A_639, %not3A_645 : vector<16xi1>
      %select_n3A_647 = arith.select %not3A_646, %add3A_627, %scan3A_619 : vector<16xi1>, vector<16xf32>
      %not3A_648 = arith.constant dense<true> : vector<16xi1>
      %not3A_649 = arith.xori %and3A_636, %not3A_648 : vector<16xi1>
      %select_n3A_650 = arith.select %not3A_649, %add3A_627, %scan3A_620 : vector<16xi1>, vector<16xf32>
      scf.yield %select_n3A_642, %select_n3A_643, %select_n3A_644, %select_n3A_647, %select_n3A_650 : vector<16xf32>, vector<16xf32>, vector<16xf32>, vector<16xf32>, vector<16xf32>
    }
    %scan3A_117 = arith.constant 128 : i32
    %mul3A_118 = arith.constant 0.707106769 : f32
    %mul3A_119 = vector.broadcast %mul3A_118 : f32 to vector<16xf32>
    %mul3A_120 = arith.mulf %scan3A_116#0, %mul3A_119 : vector<16xf32>
    %swap3A_121 = arith.constant 16 : index
    %swap3A_122 = tpu.vector_load %arg5[%swap3A_121] {strides = array<i32>} : memref<96xf32, #tpu.memory_space<vmem>>, vector<16xf32>,
    tpu.vector_store %arg5[%swap3A_121], %mul3A_120 {strides = array<i32>} : memref<96xf32, #tpu.memory_space<vmem>>, vector<16xf32>,
    %mul3A_123 = arith.constant 0.707106769 : f32
    %mul3A_124 = vector.broadcast %mul3A_123 : f32 to vector<16xf32>
    %mul3A_125 = arith.mulf %scan3A_116#1, %mul3A_124 : vector<16xf32>
    %swap3A_126 = arith.constant 16 : index
    %swap3A_127 = tpu.vector_load %arg6[%swap3A_126] {strides = array<i32>} : memref<96xf32, #tpu.memory_space<vmem>>, vector<16xf32>,
    tpu.vector_store %arg6[%swap3A_126], %mul3A_125 {strides = array<i32>} : memref<96xf32, #tpu.memory_space<vmem>>, vector<16xf32>,
    %mul3A_128 = arith.constant 0.707106769 : f32
    %mul3A_129 = vector.broadcast %mul3A_128 : f32 to vector<16xf32>
    %mul3A_130 = arith.mulf %scan3A_116#2, %mul3A_129 : vector<16xf32>
    %swap3A_131 = arith.constant 16 : index
    %swap3A_132 = tpu.vector_load %arg7[%swap3A_131] {strides = array<i32>} : memref<96xf32, #tpu.memory_space<vmem>>, vector<16xf32>,
    tpu.vector_store %arg7[%swap3A_131], %mul3A_130 {strides = array<i32>} : memref<96xf32, #tpu.memory_space<vmem>>, vector<16xf32>,
    %mul3A_133 = arith.constant 0.707106769 : f32
    %mul3A_134 = vector.broadcast %mul3A_133 : f32 to vector<16xf32>
    %mul3A_135 = arith.mulf %scan3A_116#3, %mul3A_134 : vector<16xf32>
    %swap3A_136 = arith.constant 16 : index
    %swap3A_137 = tpu.vector_load %arg8[%swap3A_136] {strides = array<i32>} : memref<96xf32, #tpu.memory_space<vmem>>, vector<16xf32>,
    tpu.vector_store %arg8[%swap3A_136], %mul3A_135 {strides = array<i32>} : memref<96xf32, #tpu.memory_space<vmem>>, vector<16xf32>,
    %mul3A_138 = arith.constant 0.707106769 : f32
    %mul3A_139 = vector.broadcast %mul3A_138 : f32 to vector<16xf32>
    %mul3A_140 = arith.mulf %scan3A_116#4, %mul3A_139 : vector<16xf32>
    %swap3A_141 = arith.constant 16 : index
    %swap3A_142 = tpu.vector_load %arg9[%swap3A_141] {strides = array<i32>} : memref<96xf32, #tpu.memory_space<vmem>>, vector<16xf32>,
    tpu.vector_store %arg9[%swap3A_141], %mul3A_140 {strides = array<i32>} : memref<96xf32, #tpu.memory_space<vmem>>, vector<16xf32>,
    %mul3A_143 = arith.constant 2 : i32
    %mul3A_144 = vector.broadcast %mul3A_143 : i32 to vector<16xi32>
    %mul3A_145 = arith.muli %iota3A, %mul3A_144 : vector<16xi32>
    %add3A_146 = arith.constant 2 : i32
    %add3A_147 = arith.addi %min3A_55, %add3A_146 : i32
    %mul3A_148 = arith.constant 32 : i32
    %mul3A_149 = arith.muli %mul3A_148, %add3A_147 : i32
    %add3A_150 = vector.broadcast %mul3A_149 : i32 to vector<16xi32>
    %add3A_151 = arith.addi %mul3A_145, %add3A_150 : vector<16xi32>
    %add3A_152 = arith.constant 1 : i32
    %add3A_153 = vector.broadcast %add3A_152 : i32 to vector<16xi32>
    %add3A_154 = arith.addi %add3A_151, %add3A_153 : vector<16xi32>
    %broadcast_in_dim3A_155 = arith.constant 0.000000e+00 : f32
    %broadcast_in_dim3A_156 = vector.broadcast %broadcast_in_dim3A_155 : f32 to vector<16xf32>
    %scan3A_157 = arith.constant 0 : i32
    %scan3A_158 = arith.constant 128 : i32
    %scan3A_159 = arith.addi %scan3A_157, %scan3A_158 : i32
    %scan3A_160 = arith.constant 1 : i32
    %scan3A_161:5 = scf.for %scan3A_615 = %scan3A_157 to %scan3A_159 step %scan3A_160 iter_args(%scan3A_616 = %broadcast_in_dim3A_156, %scan3A_617 = %broadcast_in_dim3A_156, %scan3A_618 = %broadcast_in_dim3A_156, %scan3A_619 = %broadcast_in_dim3A_156, %scan3A_620 = %broadcast_in_dim3A_156) -> (vector<16xf32>, vector<16xf32>, vector<16xf32>, vector<16xf32>, vector<16xf32>)  : i32 {
      %broadcast_in_dim3A_621 = arith.constant 0 : i32
      %broadcast_in_dim3A_622 = vector.broadcast %broadcast_in_dim3A_621 : i32 to vector<16xi32>
      %add3A_623 = vector.broadcast %scan3A_615 : i32 to vector<16xi32>
      %add3A_624 = arith.addi %broadcast_in_dim3A_622, %add3A_623 : vector<16xi32>
      %gather3A_625 = tpu.vector_load_idx %arg4[%add3A_624, %add3A_151] : memref<128x384xf32, #tpu.memory_space<vmem>>[vector<16xi32>, vector<16xi32>], vector<16xf32>,
      %gather3A_626 = tpu.vector_load_idx %arg4[%add3A_624, %add3A_154] : memref<128x384xf32, #tpu.memory_space<vmem>>[vector<16xi32>, vector<16xi32>], vector<16xf32>,
      %add3A_627 = arith.addf %gather3A_625, %gather3A_626 : vector<16xf32>
      %sub3A_628 = arith.subf %gather3A_625, %gather3A_626 : vector<16xf32>
      %bitcast3A = vector.bitcast %add3A_627 : vector<16xf32> to vector<16xi32>
      %lt3A = arith.constant 0 : i32
      %lt3A_629 = vector.broadcast %lt3A : i32 to vector<16xi32>
      %lt3A_630 = arith.cmpi slt, %bitcast3A, %lt3A_629 : vector<16xi32>
      %bitcast3A_631 = vector.bitcast %sub3A_628 : vector<16xf32> to vector<16xi32>
      %lt3A_632 = arith.constant 0 : i32
      %lt3A_633 = vector.broadcast %lt3A_632 : i32 to vector<16xi32>
      %lt3A_634 = arith.cmpi slt, %bitcast3A_631, %lt3A_633 : vector<16xi32>
      %not3A = arith.constant dense<true> : vector<16xi1>
      %not3A_635 = arith.xori %lt3A_634, %not3A : vector<16xi1>
      %and3A_636 = arith.andi %lt3A_630, %not3A_635 : vector<16xi1>
      %not3A_637 = arith.constant dense<true> : vector<16xi1>
      %not3A_638 = arith.xori %lt3A_630, %not3A_637 : vector<16xi1>
      %and3A_639 = arith.andi %lt3A_634, %not3A_638 : vector<16xi1>
      %xor3A = arith.xori %lt3A_630, %lt3A_634 : vector<16xi1>
      %not3A_640 = arith.constant dense<true> : vector<16xi1>
      %not3A_641 = arith.xori %xor3A, %not3A_640 : vector<16xi1>
      %select_n3A_642 = arith.select %and3A_636, %add3A_627, %scan3A_616 : vector<16xi1>, vector<16xf32>
      %select_n3A_643 = arith.select %not3A_641, %add3A_627, %scan3A_617 : vector<16xi1>, vector<16xf32>
      %select_n3A_644 = arith.select %and3A_639, %add3A_627, %scan3A_618 : vector<16xi1>, vector<16xf32>
      %not3A_645 = arith.constant dense<true> : vector<16xi1>
      %not3A_646 = arith.xori %and3A_639, %not3A_645 : vector<16xi1>
      %select_n3A_647 = arith.select %not3A_646, %add3A_627, %scan3A_619 : vector<16xi1>, vector<16xf32>
      %not3A_648 = arith.constant dense<true> : vector<16xi1>
      %not3A_649 = arith.xori %and3A_636, %not3A_648 : vector<16xi1>
      %select_n3A_650 = arith.select %not3A_649, %add3A_627, %scan3A_620 : vector<16xi1>, vector<16xf32>
      scf.yield %select_n3A_642, %select_n3A_643, %select_n3A_644, %select_n3A_647, %select_n3A_650 : vector<16xf32>, vector<16xf32>, vector<16xf32>, vector<16xf32>, vector<16xf32>
    }
    %scan3A_162 = arith.constant 128 : i32
    %mul3A_163 = arith.constant 0.707106769 : f32
    %mul3A_164 = vector.broadcast %mul3A_163 : f32 to vector<16xf32>
    %mul3A_165 = arith.mulf %scan3A_161#0, %mul3A_164 : vector<16xf32>
    %swap3A_166 = arith.constant 32 : index
    %swap3A_167 = tpu.vector_load %arg5[%swap3A_166] {strides = array<i32>} : memref<96xf32, #tpu.memory_space<vmem>>, vector<16xf32>,
    tpu.vector_store %arg5[%swap3A_166], %mul3A_165 {strides = array<i32>} : memref<96xf32, #tpu.memory_space<vmem>>, vector<16xf32>,
    %mul3A_168 = arith.constant 0.707106769 : f32
    %mul3A_169 = vector.broadcast %mul3A_168 : f32 to vector<16xf32>
    %mul3A_170 = arith.mulf %scan3A_161#1, %mul3A_169 : vector<16xf32>
    %swap3A_171 = arith.constant 32 : index
    %swap3A_172 = tpu.vector_load %arg6[%swap3A_171] {strides = array<i32>} : memref<96xf32, #tpu.memory_space<vmem>>, vector<16xf32>,
    tpu.vector_store %arg6[%swap3A_171], %mul3A_170 {strides = array<i32>} : memref<96xf32, #tpu.memory_space<vmem>>, vector<16xf32>,
    %mul3A_173 = arith.constant 0.707106769 : f32
    %mul3A_174 = vector.broadcast %mul3A_173 : f32 to vector<16xf32>
    %mul3A_175 = arith.mulf %scan3A_161#2, %mul3A_174 : vector<16xf32>
    %swap3A_176 = arith.constant 32 : index
    %swap3A_177 = tpu.vector_load %arg7[%swap3A_176] {strides = array<i32>} : memref<96xf32, #tpu.memory_space<vmem>>, vector<16xf32>,
    tpu.vector_store %arg7[%swap3A_176], %mul3A_175 {strides = array<i32>} : memref<96xf32, #tpu.memory_space<vmem>>, vector<16xf32>,
    %mul3A_178 = arith.constant 0.707106769 : f32
    %mul3A_179 = vector.broadcast %mul3A_178 : f32 to vector<16xf32>
    %mul3A_180 = arith.mulf %scan3A_161#3, %mul3A_179 : vector<16xf32>
    %swap3A_181 = arith.constant 32 : index
    %swap3A_182 = tpu.vector_load %arg8[%swap3A_181] {strides = array<i32>} : memref<96xf32, #tpu.memory_space<vmem>>, vector<16xf32>,
    tpu.vector_store %arg8[%swap3A_181], %mul3A_180 {strides = array<i32>} : memref<96xf32, #tpu.memory_space<vmem>>, vector<16xf32>,
    %mul3A_183 = arith.constant 0.707106769 : f32
    %mul3A_184 = vector.broadcast %mul3A_183 : f32 to vector<16xf32>
    %mul3A_185 = arith.mulf %scan3A_161#4, %mul3A_184 : vector<16xf32>
    %swap3A_186 = arith.constant 32 : index
    %swap3A_187 = tpu.vector_load %arg9[%swap3A_186] {strides = array<i32>} : memref<96xf32, #tpu.memory_space<vmem>>, vector<16xf32>,
    tpu.vector_store %arg9[%swap3A_186], %mul3A_185 {strides = array<i32>} : memref<96xf32, #tpu.memory_space<vmem>>, vector<16xf32>,
    %mul3A_188 = arith.constant 2 : i32
    %mul3A_189 = vector.broadcast %mul3A_188 : i32 to vector<16xi32>
    %mul3A_190 = arith.muli %iota3A, %mul3A_189 : vector<16xi32>
    %add3A_191 = arith.constant 3 : i32
    %add3A_192 = arith.addi %min3A_55, %add3A_191 : i32
    %mul3A_193 = arith.constant 32 : i32
    %mul3A_194 = arith.muli %mul3A_193, %add3A_192 : i32
    %add3A_195 = vector.broadcast %mul3A_194 : i32 to vector<16xi32>
    %add3A_196 = arith.addi %mul3A_190, %add3A_195 : vector<16xi32>
    %add3A_197 = arith.constant 1 : i32
    %add3A_198 = vector.broadcast %add3A_197 : i32 to vector<16xi32>
    %add3A_199 = arith.addi %add3A_196, %add3A_198 : vector<16xi32>
    %broadcast_in_dim3A_200 = arith.constant 0.000000e+00 : f32
    %broadcast_in_dim3A_201 = vector.broadcast %broadcast_in_dim3A_200 : f32 to vector<16xf32>
    %scan3A_202 = arith.constant 0 : i32
    %scan3A_203 = arith.constant 128 : i32
    %scan3A_204 = arith.addi %scan3A_202, %scan3A_203 : i32
    %scan3A_205 = arith.constant 1 : i32
    %scan3A_206:5 = scf.for %scan3A_615 = %scan3A_202 to %scan3A_204 step %scan3A_205 iter_args(%scan3A_616 = %broadcast_in_dim3A_201, %scan3A_617 = %broadcast_in_dim3A_201, %scan3A_618 = %broadcast_in_dim3A_201, %scan3A_619 = %broadcast_in_dim3A_201, %scan3A_620 = %broadcast_in_dim3A_201) -> (vector<16xf32>, vector<16xf32>, vector<16xf32>, vector<16xf32>, vector<16xf32>)  : i32 {
      %broadcast_in_dim3A_621 = arith.constant 0 : i32
      %broadcast_in_dim3A_622 = vector.broadcast %broadcast_in_dim3A_621 : i32 to vector<16xi32>
      %add3A_623 = vector.broadcast %scan3A_615 : i32 to vector<16xi32>
      %add3A_624 = arith.addi %broadcast_in_dim3A_622, %add3A_623 : vector<16xi32>
      %gather3A_625 = tpu.vector_load_idx %arg4[%add3A_624, %add3A_196] : memref<128x384xf32, #tpu.memory_space<vmem>>[vector<16xi32>, vector<16xi32>], vector<16xf32>,
      %gather3A_626 = tpu.vector_load_idx %arg4[%add3A_624, %add3A_199] : memref<128x384xf32, #tpu.memory_space<vmem>>[vector<16xi32>, vector<16xi32>], vector<16xf32>,
      %add3A_627 = arith.addf %gather3A_625, %gather3A_626 : vector<16xf32>
      %sub3A_628 = arith.subf %gather3A_625, %gather3A_626 : vector<16xf32>
      %bitcast3A = vector.bitcast %add3A_627 : vector<16xf32> to vector<16xi32>
      %lt3A = arith.constant 0 : i32
      %lt3A_629 = vector.broadcast %lt3A : i32 to vector<16xi32>
      %lt3A_630 = arith.cmpi slt, %bitcast3A, %lt3A_629 : vector<16xi32>
      %bitcast3A_631 = vector.bitcast %sub3A_628 : vector<16xf32> to vector<16xi32>
      %lt3A_632 = arith.constant 0 : i32
      %lt3A_633 = vector.broadcast %lt3A_632 : i32 to vector<16xi32>
      %lt3A_634 = arith.cmpi slt, %bitcast3A_631, %lt3A_633 : vector<16xi32>
      %not3A = arith.constant dense<true> : vector<16xi1>
      %not3A_635 = arith.xori %lt3A_634, %not3A : vector<16xi1>
      %and3A_636 = arith.andi %lt3A_630, %not3A_635 : vector<16xi1>
      %not3A_637 = arith.constant dense<true> : vector<16xi1>
      %not3A_638 = arith.xori %lt3A_630, %not3A_637 : vector<16xi1>
      %and3A_639 = arith.andi %lt3A_634, %not3A_638 : vector<16xi1>
      %xor3A = arith.xori %lt3A_630, %lt3A_634 : vector<16xi1>
      %not3A_640 = arith.constant dense<true> : vector<16xi1>
      %not3A_641 = arith.xori %xor3A, %not3A_640 : vector<16xi1>
      %select_n3A_642 = arith.select %and3A_636, %add3A_627, %scan3A_616 : vector<16xi1>, vector<16xf32>
      %select_n3A_643 = arith.select %not3A_641, %add3A_627, %scan3A_617 : vector<16xi1>, vector<16xf32>
      %select_n3A_644 = arith.select %and3A_639, %add3A_627, %scan3A_618 : vector<16xi1>, vector<16xf32>
      %not3A_645 = arith.constant dense<true> : vector<16xi1>
      %not3A_646 = arith.xori %and3A_639, %not3A_645 : vector<16xi1>
      %select_n3A_647 = arith.select %not3A_646, %add3A_627, %scan3A_619 : vector<16xi1>, vector<16xf32>
      %not3A_648 = arith.constant dense<true> : vector<16xi1>
      %not3A_649 = arith.xori %and3A_636, %not3A_648 : vector<16xi1>
      %select_n3A_650 = arith.select %not3A_649, %add3A_627, %scan3A_620 : vector<16xi1>, vector<16xf32>
      scf.yield %select_n3A_642, %select_n3A_643, %select_n3A_644, %select_n3A_647, %select_n3A_650 : vector<16xf32>, vector<16xf32>, vector<16xf32>, vector<16xf32>, vector<16xf32>
    }
    %scan3A_207 = arith.constant 128 : i32
    %mul3A_208 = arith.constant 0.707106769 : f32
    %mul3A_209 = vector.broadcast %mul3A_208 : f32 to vector<16xf32>
    %mul3A_210 = arith.mulf %scan3A_206#0, %mul3A_209 : vector<16xf32>
    %swap3A_211 = arith.constant 48 : index
    %swap3A_212 = tpu.vector_load %arg5[%swap3A_211] {strides = array<i32>} : memref<96xf32, #tpu.memory_space<vmem>>, vector<16xf32>,
    tpu.vector_store %arg5[%swap3A_211], %mul3A_210 {strides = array<i32>} : memref<96xf32, #tpu.memory_space<vmem>>, vector<16xf32>,
    %mul3A_213 = arith.constant 0.707106769 : f32
    %mul3A_214 = vector.broadcast %mul3A_213 : f32 to vector<16xf32>
    %mul3A_215 = arith.mulf %scan3A_206#1, %mul3A_214 : vector<16xf32>
    %swap3A_216 = arith.constant 48 : index
    %swap3A_217 = tpu.vector_load %arg6[%swap3A_216] {strides = array<i32>} : memref<96xf32, #tpu.memory_space<vmem>>, vector<16xf32>,
    tpu.vector_store %arg6[%swap3A_216], %mul3A_215 {strides = array<i32>} : memref<96xf32, #tpu.memory_space<vmem>>, vector<16xf32>,
    %mul3A_218 = arith.constant 0.707106769 : f32
    %mul3A_219 = vector.broadcast %mul3A_218 : f32 to vector<16xf32>
    %mul3A_220 = arith.mulf %scan3A_206#2, %mul3A_219 : vector<16xf32>
    %swap3A_221 = arith.constant 48 : index
    %swap3A_222 = tpu.vector_load %arg7[%swap3A_221] {strides = array<i32>} : memref<96xf32, #tpu.memory_space<vmem>>, vector<16xf32>,
    tpu.vector_store %arg7[%swap3A_221], %mul3A_220 {strides = array<i32>} : memref<96xf32, #tpu.memory_space<vmem>>, vector<16xf32>,
    %mul3A_223 = arith.constant 0.707106769 : f32
    %mul3A_224 = vector.broadcast %mul3A_223 : f32 to vector<16xf32>
    %mul3A_225 = arith.mulf %scan3A_206#3, %mul3A_224 : vector<16xf32>
    %swap3A_226 = arith.constant 48 : index
    %swap3A_227 = tpu.vector_load %arg8[%swap3A_226] {strides = array<i32>} : memref<96xf32, #tpu.memory_space<vmem>>, vector<16xf32>,
    tpu.vector_store %arg8[%swap3A_226], %mul3A_225 {strides = array<i32>} : memref<96xf32, #tpu.memory_space<vmem>>, vector<16xf32>,
    %mul3A_228 = arith.constant 0.707106769 : f32
    %mul3A_229 = vector.broadcast %mul3A_228 : f32 to vector<16xf32>
    %mul3A_230 = arith.mulf %scan3A_206#4, %mul3A_229 : vector<16xf32>
    %swap3A_231 = arith.constant 48 : index
    %swap3A_232 = tpu.vector_load %arg9[%swap3A_231] {strides = array<i32>} : memref<96xf32, #tpu.memory_space<vmem>>, vector<16xf32>,
    tpu.vector_store %arg9[%swap3A_231], %mul3A_230 {strides = array<i32>} : memref<96xf32, #tpu.memory_space<vmem>>, vector<16xf32>,
    %mul3A_233 = arith.constant 2 : i32
    %mul3A_234 = vector.broadcast %mul3A_233 : i32 to vector<16xi32>
    %mul3A_235 = arith.muli %iota3A, %mul3A_234 : vector<16xi32>
    %add3A_236 = arith.constant 4 : i32
    %add3A_237 = arith.addi %min3A_55, %add3A_236 : i32
    %mul3A_238 = arith.constant 32 : i32
    %mul3A_239 = arith.muli %mul3A_238, %add3A_237 : i32
    %add3A_240 = vector.broadcast %mul3A_239 : i32 to vector<16xi32>
    %add3A_241 = arith.addi %mul3A_235, %add3A_240 : vector<16xi32>
    %add3A_242 = arith.constant 1 : i32
    %add3A_243 = vector.broadcast %add3A_242 : i32 to vector<16xi32>
    %add3A_244 = arith.addi %add3A_241, %add3A_243 : vector<16xi32>
    %broadcast_in_dim3A_245 = arith.constant 0.000000e+00 : f32
    %broadcast_in_dim3A_246 = vector.broadcast %broadcast_in_dim3A_245 : f32 to vector<16xf32>
    %scan3A_247 = arith.constant 0 : i32
    %scan3A_248 = arith.constant 128 : i32
    %scan3A_249 = arith.addi %scan3A_247, %scan3A_248 : i32
    %scan3A_250 = arith.constant 1 : i32
    %scan3A_251:5 = scf.for %scan3A_615 = %scan3A_247 to %scan3A_249 step %scan3A_250 iter_args(%scan3A_616 = %broadcast_in_dim3A_246, %scan3A_617 = %broadcast_in_dim3A_246, %scan3A_618 = %broadcast_in_dim3A_246, %scan3A_619 = %broadcast_in_dim3A_246, %scan3A_620 = %broadcast_in_dim3A_246) -> (vector<16xf32>, vector<16xf32>, vector<16xf32>, vector<16xf32>, vector<16xf32>)  : i32 {
      %broadcast_in_dim3A_621 = arith.constant 0 : i32
      %broadcast_in_dim3A_622 = vector.broadcast %broadcast_in_dim3A_621 : i32 to vector<16xi32>
      %add3A_623 = vector.broadcast %scan3A_615 : i32 to vector<16xi32>
      %add3A_624 = arith.addi %broadcast_in_dim3A_622, %add3A_623 : vector<16xi32>
      %gather3A_625 = tpu.vector_load_idx %arg4[%add3A_624, %add3A_241] : memref<128x384xf32, #tpu.memory_space<vmem>>[vector<16xi32>, vector<16xi32>], vector<16xf32>,
      %gather3A_626 = tpu.vector_load_idx %arg4[%add3A_624, %add3A_244] : memref<128x384xf32, #tpu.memory_space<vmem>>[vector<16xi32>, vector<16xi32>], vector<16xf32>,
      %add3A_627 = arith.addf %gather3A_625, %gather3A_626 : vector<16xf32>
      %sub3A_628 = arith.subf %gather3A_625, %gather3A_626 : vector<16xf32>
      %bitcast3A = vector.bitcast %add3A_627 : vector<16xf32> to vector<16xi32>
      %lt3A = arith.constant 0 : i32
      %lt3A_629 = vector.broadcast %lt3A : i32 to vector<16xi32>
      %lt3A_630 = arith.cmpi slt, %bitcast3A, %lt3A_629 : vector<16xi32>
      %bitcast3A_631 = vector.bitcast %sub3A_628 : vector<16xf32> to vector<16xi32>
      %lt3A_632 = arith.constant 0 : i32
      %lt3A_633 = vector.broadcast %lt3A_632 : i32 to vector<16xi32>
      %lt3A_634 = arith.cmpi slt, %bitcast3A_631, %lt3A_633 : vector<16xi32>
      %not3A = arith.constant dense<true> : vector<16xi1>
      %not3A_635 = arith.xori %lt3A_634, %not3A : vector<16xi1>
      %and3A_636 = arith.andi %lt3A_630, %not3A_635 : vector<16xi1>
      %not3A_637 = arith.constant dense<true> : vector<16xi1>
      %not3A_638 = arith.xori %lt3A_630, %not3A_637 : vector<16xi1>
      %and3A_639 = arith.andi %lt3A_634, %not3A_638 : vector<16xi1>
      %xor3A = arith.xori %lt3A_630, %lt3A_634 : vector<16xi1>
      %not3A_640 = arith.constant dense<true> : vector<16xi1>
      %not3A_641 = arith.xori %xor3A, %not3A_640 : vector<16xi1>
      %select_n3A_642 = arith.select %and3A_636, %add3A_627, %scan3A_616 : vector<16xi1>, vector<16xf32>
      %select_n3A_643 = arith.select %not3A_641, %add3A_627, %scan3A_617 : vector<16xi1>, vector<16xf32>
      %select_n3A_644 = arith.select %and3A_639, %add3A_627, %scan3A_618 : vector<16xi1>, vector<16xf32>
      %not3A_645 = arith.constant dense<true> : vector<16xi1>
      %not3A_646 = arith.xori %and3A_639, %not3A_645 : vector<16xi1>
      %select_n3A_647 = arith.select %not3A_646, %add3A_627, %scan3A_619 : vector<16xi1>, vector<16xf32>
      %not3A_648 = arith.constant dense<true> : vector<16xi1>
      %not3A_649 = arith.xori %and3A_636, %not3A_648 : vector<16xi1>
      %select_n3A_650 = arith.select %not3A_649, %add3A_627, %scan3A_620 : vector<16xi1>, vector<16xf32>
      scf.yield %select_n3A_642, %select_n3A_643, %select_n3A_644, %select_n3A_647, %select_n3A_650 : vector<16xf32>, vector<16xf32>, vector<16xf32>, vector<16xf32>, vector<16xf32>
    }
    %scan3A_252 = arith.constant 128 : i32
    %mul3A_253 = arith.constant 0.707106769 : f32
    %mul3A_254 = vector.broadcast %mul3A_253 : f32 to vector<16xf32>
    %mul3A_255 = arith.mulf %scan3A_251#0, %mul3A_254 : vector<16xf32>
    %swap3A_256 = arith.constant 64 : index
    %swap3A_257 = tpu.vector_load %arg5[%swap3A_256] {strides = array<i32>} : memref<96xf32, #tpu.memory_space<vmem>>, vector<16xf32>,
    tpu.vector_store %arg5[%swap3A_256], %mul3A_255 {strides = array<i32>} : memref<96xf32, #tpu.memory_space<vmem>>, vector<16xf32>,
    %mul3A_258 = arith.constant 0.707106769 : f32
    %mul3A_259 = vector.broadcast %mul3A_258 : f32 to vector<16xf32>
    %mul3A_260 = arith.mulf %scan3A_251#1, %mul3A_259 : vector<16xf32>
    %swap3A_261 = arith.constant 64 : index
    %swap3A_262 = tpu.vector_load %arg6[%swap3A_261] {strides = array<i32>} : memref<96xf32, #tpu.memory_space<vmem>>, vector<16xf32>,
    tpu.vector_store %arg6[%swap3A_261], %mul3A_260 {strides = array<i32>} : memref<96xf32, #tpu.memory_space<vmem>>, vector<16xf32>,
    %mul3A_263 = arith.constant 0.707106769 : f32
    %mul3A_264 = vector.broadcast %mul3A_263 : f32 to vector<16xf32>
    %mul3A_265 = arith.mulf %scan3A_251#2, %mul3A_264 : vector<16xf32>
    %swap3A_266 = arith.constant 64 : index
    %swap3A_267 = tpu.vector_load %arg7[%swap3A_266] {strides = array<i32>} : memref<96xf32, #tpu.memory_space<vmem>>, vector<16xf32>,
    tpu.vector_store %arg7[%swap3A_266], %mul3A_265 {strides = array<i32>} : memref<96xf32, #tpu.memory_space<vmem>>, vector<16xf32>,
    %mul3A_268 = arith.constant 0.707106769 : f32
    %mul3A_269 = vector.broadcast %mul3A_268 : f32 to vector<16xf32>
    %mul3A_270 = arith.mulf %scan3A_251#3, %mul3A_269 : vector<16xf32>
    %swap3A_271 = arith.constant 64 : index
    %swap3A_272 = tpu.vector_load %arg8[%swap3A_271] {strides = array<i32>} : memref<96xf32, #tpu.memory_space<vmem>>, vector<16xf32>,
    tpu.vector_store %arg8[%swap3A_271], %mul3A_270 {strides = array<i32>} : memref<96xf32, #tpu.memory_space<vmem>>, vector<16xf32>,
    %mul3A_273 = arith.constant 0.707106769 : f32
    %mul3A_274 = vector.broadcast %mul3A_273 : f32 to vector<16xf32>
    %mul3A_275 = arith.mulf %scan3A_251#4, %mul3A_274 : vector<16xf32>
    %swap3A_276 = arith.constant 64 : index
    %swap3A_277 = tpu.vector_load %arg9[%swap3A_276] {strides = array<i32>} : memref<96xf32, #tpu.memory_space<vmem>>, vector<16xf32>,
    tpu.vector_store %arg9[%swap3A_276], %mul3A_275 {strides = array<i32>} : memref<96xf32, #tpu.memory_space<vmem>>, vector<16xf32>,
    %mul3A_278 = arith.constant 2 : i32
    %mul3A_279 = vector.broadcast %mul3A_278 : i32 to vector<16xi32>
    %mul3A_280 = arith.muli %iota3A, %mul3A_279 : vector<16xi32>
    %add3A_281 = arith.constant 5 : i32
    %add3A_282 = arith.addi %min3A_55, %add3A_281 : i32
    %mul3A_283 = arith.constant 32 : i32
    %mul3A_284 = arith.muli %mul3A_283, %add3A_282 : i32
    %add3A_285 = vector.broadcast %mul3A_284 : i32 to vector<16xi32>
    %add3A_286 = arith.addi %mul3A_280, %add3A_285 : vector<16xi32>
    %add3A_287 = arith.constant 1 : i32
    %add3A_288 = vector.broadcast %add3A_287 : i32 to vector<16xi32>
    %add3A_289 = arith.addi %add3A_286, %add3A_288 : vector<16xi32>
    %broadcast_in_dim3A_290 = arith.constant 0.000000e+00 : f32
    %broadcast_in_dim3A_291 = vector.broadcast %broadcast_in_dim3A_290 : f32 to vector<16xf32>
    %scan3A_292 = arith.constant 0 : i32
    %scan3A_293 = arith.constant 128 : i32
    %scan3A_294 = arith.addi %scan3A_292, %scan3A_293 : i32
    %scan3A_295 = arith.constant 1 : i32
    %scan3A_296:5 = scf.for %scan3A_615 = %scan3A_292 to %scan3A_294 step %scan3A_295 iter_args(%scan3A_616 = %broadcast_in_dim3A_291, %scan3A_617 = %broadcast_in_dim3A_291, %scan3A_618 = %broadcast_in_dim3A_291, %scan3A_619 = %broadcast_in_dim3A_291, %scan3A_620 = %broadcast_in_dim3A_291) -> (vector<16xf32>, vector<16xf32>, vector<16xf32>, vector<16xf32>, vector<16xf32>)  : i32 {
      %broadcast_in_dim3A_621 = arith.constant 0 : i32
      %broadcast_in_dim3A_622 = vector.broadcast %broadcast_in_dim3A_621 : i32 to vector<16xi32>
      %add3A_623 = vector.broadcast %scan3A_615 : i32 to vector<16xi32>
      %add3A_624 = arith.addi %broadcast_in_dim3A_622, %add3A_623 : vector<16xi32>
      %gather3A_625 = tpu.vector_load_idx %arg4[%add3A_624, %add3A_286] : memref<128x384xf32, #tpu.memory_space<vmem>>[vector<16xi32>, vector<16xi32>], vector<16xf32>,
      %gather3A_626 = tpu.vector_load_idx %arg4[%add3A_624, %add3A_289] : memref<128x384xf32, #tpu.memory_space<vmem>>[vector<16xi32>, vector<16xi32>], vector<16xf32>,
      %add3A_627 = arith.addf %gather3A_625, %gather3A_626 : vector<16xf32>
      %sub3A_628 = arith.subf %gather3A_625, %gather3A_626 : vector<16xf32>
      %bitcast3A = vector.bitcast %add3A_627 : vector<16xf32> to vector<16xi32>
      %lt3A = arith.constant 0 : i32
      %lt3A_629 = vector.broadcast %lt3A : i32 to vector<16xi32>
      %lt3A_630 = arith.cmpi slt, %bitcast3A, %lt3A_629 : vector<16xi32>
      %bitcast3A_631 = vector.bitcast %sub3A_628 : vector<16xf32> to vector<16xi32>
      %lt3A_632 = arith.constant 0 : i32
      %lt3A_633 = vector.broadcast %lt3A_632 : i32 to vector<16xi32>
      %lt3A_634 = arith.cmpi slt, %bitcast3A_631, %lt3A_633 : vector<16xi32>
      %not3A = arith.constant dense<true> : vector<16xi1>
      %not3A_635 = arith.xori %lt3A_634, %not3A : vector<16xi1>
      %and3A_636 = arith.andi %lt3A_630, %not3A_635 : vector<16xi1>
      %not3A_637 = arith.constant dense<true> : vector<16xi1>
      %not3A_638 = arith.xori %lt3A_630, %not3A_637 : vector<16xi1>
      %and3A_639 = arith.andi %lt3A_634, %not3A_638 : vector<16xi1>
      %xor3A = arith.xori %lt3A_630, %lt3A_634 : vector<16xi1>
      %not3A_640 = arith.constant dense<true> : vector<16xi1>
      %not3A_641 = arith.xori %xor3A, %not3A_640 : vector<16xi1>
      %select_n3A_642 = arith.select %and3A_636, %add3A_627, %scan3A_616 : vector<16xi1>, vector<16xf32>
      %select_n3A_643 = arith.select %not3A_641, %add3A_627, %scan3A_617 : vector<16xi1>, vector<16xf32>
      %select_n3A_644 = arith.select %and3A_639, %add3A_627, %scan3A_618 : vector<16xi1>, vector<16xf32>
      %not3A_645 = arith.constant dense<true> : vector<16xi1>
      %not3A_646 = arith.xori %and3A_639, %not3A_645 : vector<16xi1>
      %select_n3A_647 = arith.select %not3A_646, %add3A_627, %scan3A_619 : vector<16xi1>, vector<16xf32>
      %not3A_648 = arith.constant dense<true> : vector<16xi1>
      %not3A_649 = arith.xori %and3A_636, %not3A_648 : vector<16xi1>
      %select_n3A_650 = arith.select %not3A_649, %add3A_627, %scan3A_620 : vector<16xi1>, vector<16xf32>
      scf.yield %select_n3A_642, %select_n3A_643, %select_n3A_644, %select_n3A_647, %select_n3A_650 : vector<16xf32>, vector<16xf32>, vector<16xf32>, vector<16xf32>, vector<16xf32>
    }
    %scan3A_297 = arith.constant 128 : i32
    %mul3A_298 = arith.constant 0.707106769 : f32
    %mul3A_299 = vector.broadcast %mul3A_298 : f32 to vector<16xf32>
    %mul3A_300 = arith.mulf %scan3A_296#0, %mul3A_299 : vector<16xf32>
    %swap3A_301 = arith.constant 80 : index
    %swap3A_302 = tpu.vector_load %arg5[%swap3A_301] {strides = array<i32>} : memref<96xf32, #tpu.memory_space<vmem>>, vector<16xf32>,
    tpu.vector_store %arg5[%swap3A_301], %mul3A_300 {strides = array<i32>} : memref<96xf32, #tpu.memory_space<vmem>>, vector<16xf32>,
    %mul3A_303 = arith.constant 0.707106769 : f32
    %mul3A_304 = vector.broadcast %mul3A_303 : f32 to vector<16xf32>
    %mul3A_305 = arith.mulf %scan3A_296#1, %mul3A_304 : vector<16xf32>
    %swap3A_306 = arith.constant 80 : index
    %swap3A_307 = tpu.vector_load %arg6[%swap3A_306] {strides = array<i32>} : memref<96xf32, #tpu.memory_space<vmem>>, vector<16xf32>,
    tpu.vector_store %arg6[%swap3A_306], %mul3A_305 {strides = array<i32>} : memref<96xf32, #tpu.memory_space<vmem>>, vector<16xf32>,
    %mul3A_308 = arith.constant 0.707106769 : f32
    %mul3A_309 = vector.broadcast %mul3A_308 : f32 to vector<16xf32>
    %mul3A_310 = arith.mulf %scan3A_296#2, %mul3A_309 : vector<16xf32>
    %swap3A_311 = arith.constant 80 : index
    %swap3A_312 = tpu.vector_load %arg7[%swap3A_311] {strides = array<i32>} : memref<96xf32, #tpu.memory_space<vmem>>, vector<16xf32>,
    tpu.vector_store %arg7[%swap3A_311], %mul3A_310 {strides = array<i32>} : memref<96xf32, #tpu.memory_space<vmem>>, vector<16xf32>,
    %mul3A_313 = arith.constant 0.707106769 : f32
    %mul3A_314 = vector.broadcast %mul3A_313 : f32 to vector<16xf32>
    %mul3A_315 = arith.mulf %scan3A_296#3, %mul3A_314 : vector<16xf32>
    %swap3A_316 = arith.constant 80 : index
    %swap3A_317 = tpu.vector_load %arg8[%swap3A_316] {strides = array<i32>} : memref<96xf32, #tpu.memory_space<vmem>>, vector<16xf32>,
    tpu.vector_store %arg8[%swap3A_316], %mul3A_315 {strides = array<i32>} : memref<96xf32, #tpu.memory_space<vmem>>, vector<16xf32>,
    %mul3A_318 = arith.constant 0.707106769 : f32
    %mul3A_319 = vector.broadcast %mul3A_318 : f32 to vector<16xf32>
    %mul3A_320 = arith.mulf %scan3A_296#4, %mul3A_319 : vector<16xf32>
    %swap3A_321 = arith.constant 80 : index
    %swap3A_322 = tpu.vector_load %arg9[%swap3A_321] {strides = array<i32>} : memref<96xf32, #tpu.memory_space<vmem>>, vector<16xf32>,
    tpu.vector_store %arg9[%swap3A_321], %mul3A_320 {strides = array<i32>} : memref<96xf32, #tpu.memory_space<vmem>>, vector<16xf32>,
    %broadcast_in_dim3A_323 = arith.constant 127 : i32
    %broadcast_in_dim3A_324 = vector.broadcast %broadcast_in_dim3A_323 : i32 to vector<16xi32>
    %add3A_325 = arith.constant 0 : i32
    %add3A_326 = arith.addi %sub3A_25, %add3A_325 : i32
    %add3A_327 = vector.broadcast %add3A_326 : i32 to vector<16xi32>
    %add3A_328 = arith.addi %add3A_327, %iota3A : vector<16xi32>
    %mul3A_329 = arith.constant 16 : i32
    %mul3A_330 = arith.muli %mul3A_329, %min3A_55 : i32
    %sub3A_331 = vector.broadcast %mul3A_330 : i32 to vector<16xi32>
    %sub3A_332 = arith.subi %add3A_328, %sub3A_331 : vector<16xi32>
    %mul3A_333 = arith.constant 64 : i32
    %mul3A_334 = arith.muli %add3A, %mul3A_333 : i32
    %add3A_335 = arith.constant 0 : i32
    %add3A_336 = arith.addi %mul3A_334, %add3A_335 : i32
    %add3A_337 = vector.broadcast %add3A_336 : i32 to vector<16xi32>
    %add3A_338 = arith.addi %add3A_337, %iota3A : vector<16xi32>
    %sub3A_339 = arith.constant 1 : i32
    %sub3A_340 = vector.broadcast %sub3A_339 : i32 to vector<16xi32>
    %sub3A_341 = arith.subi %sub3A_332, %sub3A_340 : vector<16xi32>
    %max3A_342 = arith.constant 0 : i32
    %max3A_343 = vector.broadcast %max3A_342 : i32 to vector<16xi32>
    %max3A_344 = arith.maxsi %sub3A_341, %max3A_343 : vector<16xi32>
    %add3A_345 = arith.constant 1 : i32
    %add3A_346 = vector.broadcast %add3A_345 : i32 to vector<16xi32>
    %add3A_347 = arith.addi %sub3A_332, %add3A_346 : vector<16xi32>
    %min3A_348 = arith.constant 95 : i32
    %min3A_349 = vector.broadcast %min3A_348 : i32 to vector<16xi32>
    %min3A_350 = arith.minsi %add3A_347, %min3A_349 : vector<16xi32>
    %gather3A = tpu.vector_load_idx %arg7[%max3A_344] : memref<96xf32, #tpu.memory_space<vmem>>[vector<16xi32>], vector<16xf32>,
    %gather3A_351 = tpu.vector_load_idx %arg6[%sub3A_332] : memref<96xf32, #tpu.memory_space<vmem>>[vector<16xi32>], vector<16xf32>,
    %gather3A_352 = tpu.vector_load_idx %arg5[%min3A_350] : memref<96xf32, #tpu.memory_space<vmem>>[vector<16xi32>], vector<16xf32>,
    %add3A_353 = arith.addf %gather3A, %gather3A_351 : vector<16xf32>
    %add3A_354 = arith.addf %add3A_353, %gather3A_352 : vector<16xf32>
    %gather3A_355 = tpu.vector_load_idx %arg8[%sub3A_332] : memref<96xf32, #tpu.memory_space<vmem>>[vector<16xi32>], vector<16xf32>,
    %gather3A_356 = tpu.vector_load_idx %arg9[%sub3A_332] : memref<96xf32, #tpu.memory_space<vmem>>[vector<16xi32>], vector<16xf32>,
    %eq3A = arith.constant 0 : i32
    %eq3A_357 = vector.broadcast %eq3A : i32 to vector<16xi32>
    %eq3A_358 = arith.cmpi eq, %add3A_338, %eq3A_357 : vector<16xi32>
    %add3A_359 = arith.addf %gather3A_355, %gather3A_352 : vector<16xf32>
    %select_n3A_360 = arith.select %eq3A_358, %add3A_359, %add3A_354 : vector<16xi1>, vector<16xf32>
    %eq3A_361 = arith.constant 2047 : i32
    %eq3A_362 = vector.broadcast %eq3A_361 : i32 to vector<16xi32>
    %eq3A_363 = arith.cmpi eq, %add3A_338, %eq3A_362 : vector<16xi32>
    %add3A_364 = arith.addf %gather3A_356, %gather3A : vector<16xf32>
    %select_n3A_365 = arith.select %eq3A_363, %add3A_364, %select_n3A_360 : vector<16xi1>, vector<16xf32>
    %mul3A_366 = arith.constant 2 : i32
    %mul3A_367 = vector.broadcast %mul3A_366 : i32 to vector<16xi32>
    %mul3A_368 = arith.muli %add3A_328, %mul3A_367 : vector<16xi32>
    %gather3A_369 = tpu.vector_load_idx %arg4[%broadcast_in_dim3A_324, %mul3A_368] : memref<128x384xf32, #tpu.memory_space<vmem>>[vector<16xi32>, vector<16xi32>], vector<16xf32>,
    %mul3A_370 = arith.constant 2 : i32
    %mul3A_371 = vector.broadcast %mul3A_370 : i32 to vector<16xi32>
    %mul3A_372 = arith.muli %add3A_328, %mul3A_371 : vector<16xi32>
    %add3A_373 = arith.constant 1 : i32
    %add3A_374 = vector.broadcast %add3A_373 : i32 to vector<16xi32>
    %add3A_375 = arith.addi %mul3A_372, %add3A_374 : vector<16xi32>
    %gather3A_376 = tpu.vector_load_idx %arg4[%broadcast_in_dim3A_324, %add3A_375] : memref<128x384xf32, #tpu.memory_space<vmem>>[vector<16xi32>, vector<16xi32>], vector<16xf32>,
    %sub3A_377 = arith.subf %gather3A_369, %gather3A_376 : vector<16xf32>
    %mul3A_378 = arith.constant 0.707106769 : f32
    %mul3A_379 = vector.broadcast %mul3A_378 : f32 to vector<16xf32>
    %mul3A_380 = arith.mulf %sub3A_377, %mul3A_379 : vector<16xf32>
    %mul3A_381 = arith.constant 2 : i32
    %mul3A_382 = vector.broadcast %mul3A_381 : i32 to vector<16xi32>
    %mul3A_383 = arith.muli %iota3A, %mul3A_382 : vector<16xi32>
    %add3A_384 = arith.constant 0 : i32
    %add3A_385 = vector.broadcast %add3A_384 : i32 to vector<16xi32>
    %add3A_386 = arith.addi %add3A_385, %mul3A_383 : vector<16xi32>
    tpu.vector_store_idx %arg10[%add3A_386], %select_n3A_365 : memref<128xf32, #tpu.memory_space<vmem>>[vector<16xi32>], vector<16xf32>,
    %add3A_387 = arith.constant 1 : i32
    %add3A_388 = vector.broadcast %add3A_387 : i32 to vector<16xi32>
    %add3A_389 = arith.addi %add3A_386, %add3A_388 : vector<16xi32>
    tpu.vector_store_idx %arg10[%add3A_389], %mul3A_380 : memref<128xf32, #tpu.memory_space<vmem>>[vector<16xi32>], vector<16xf32>,
    %add3A_390 = arith.constant 16 : i32
    %add3A_391 = arith.addi %sub3A_25, %add3A_390 : i32
    %add3A_392 = vector.broadcast %add3A_391 : i32 to vector<16xi32>
    %add3A_393 = arith.addi %add3A_392, %iota3A : vector<16xi32>
    %mul3A_394 = arith.constant 16 : i32
    %mul3A_395 = arith.muli %mul3A_394, %min3A_55 : i32
    %sub3A_396 = vector.broadcast %mul3A_395 : i32 to vector<16xi32>
    %sub3A_397 = arith.subi %add3A_393, %sub3A_396 : vector<16xi32>
    %mul3A_398 = arith.constant 64 : i32
    %mul3A_399 = arith.muli %add3A, %mul3A_398 : i32
    %add3A_400 = arith.constant 16 : i32
    %add3A_401 = arith.addi %mul3A_399, %add3A_400 : i32
    %add3A_402 = vector.broadcast %add3A_401 : i32 to vector<16xi32>
    %add3A_403 = arith.addi %add3A_402, %iota3A : vector<16xi32>
    %sub3A_404 = arith.constant 1 : i32
    %sub3A_405 = vector.broadcast %sub3A_404 : i32 to vector<16xi32>
    %sub3A_406 = arith.subi %sub3A_397, %sub3A_405 : vector<16xi32>
    %max3A_407 = arith.constant 0 : i32
    %max3A_408 = vector.broadcast %max3A_407 : i32 to vector<16xi32>
    %max3A_409 = arith.maxsi %sub3A_406, %max3A_408 : vector<16xi32>
    %add3A_410 = arith.constant 1 : i32
    %add3A_411 = vector.broadcast %add3A_410 : i32 to vector<16xi32>
    %add3A_412 = arith.addi %sub3A_397, %add3A_411 : vector<16xi32>
    %min3A_413 = arith.constant 95 : i32
    %min3A_414 = vector.broadcast %min3A_413 : i32 to vector<16xi32>
    %min3A_415 = arith.minsi %add3A_412, %min3A_414 : vector<16xi32>
    %gather3A_416 = tpu.vector_load_idx %arg7[%max3A_409] : memref<96xf32, #tpu.memory_space<vmem>>[vector<16xi32>], vector<16xf32>,
    %gather3A_417 = tpu.vector_load_idx %arg6[%sub3A_397] : memref<96xf32, #tpu.memory_space<vmem>>[vector<16xi32>], vector<16xf32>,
    %gather3A_418 = tpu.vector_load_idx %arg5[%min3A_415] : memref<96xf32, #tpu.memory_space<vmem>>[vector<16xi32>], vector<16xf32>,
    %add3A_419 = arith.addf %gather3A_416, %gather3A_417 : vector<16xf32>
    %add3A_420 = arith.addf %add3A_419, %gather3A_418 : vector<16xf32>
    %gather3A_421 = tpu.vector_load_idx %arg8[%sub3A_397] : memref<96xf32, #tpu.memory_space<vmem>>[vector<16xi32>], vector<16xf32>,
    %gather3A_422 = tpu.vector_load_idx %arg9[%sub3A_397] : memref<96xf32, #tpu.memory_space<vmem>>[vector<16xi32>], vector<16xf32>,
    %eq3A_423 = arith.constant 0 : i32
    %eq3A_424 = vector.broadcast %eq3A_423 : i32 to vector<16xi32>
    %eq3A_425 = arith.cmpi eq, %add3A_403, %eq3A_424 : vector<16xi32>
    %add3A_426 = arith.addf %gather3A_421, %gather3A_418 : vector<16xf32>
    %select_n3A_427 = arith.select %eq3A_425, %add3A_426, %add3A_420 : vector<16xi1>, vector<16xf32>
    %eq3A_428 = arith.constant 2047 : i32
    %eq3A_429 = vector.broadcast %eq3A_428 : i32 to vector<16xi32>
    %eq3A_430 = arith.cmpi eq, %add3A_403, %eq3A_429 : vector<16xi32>
    %add3A_431 = arith.addf %gather3A_422, %gather3A_416 : vector<16xf32>
    %select_n3A_432 = arith.select %eq3A_430, %add3A_431, %select_n3A_427 : vector<16xi1>, vector<16xf32>
    %mul3A_433 = arith.constant 2 : i32
    %mul3A_434 = vector.broadcast %mul3A_433 : i32 to vector<16xi32>
    %mul3A_435 = arith.muli %add3A_393, %mul3A_434 : vector<16xi32>
    %gather3A_436 = tpu.vector_load_idx %arg4[%broadcast_in_dim3A_324, %mul3A_435] : memref<128x384xf32, #tpu.memory_space<vmem>>[vector<16xi32>, vector<16xi32>], vector<16xf32>,
    %mul3A_437 = arith.constant 2 : i32
    %mul3A_438 = vector.broadcast %mul3A_437 : i32 to vector<16xi32>
    %mul3A_439 = arith.muli %add3A_393, %mul3A_438 : vector<16xi32>
    %add3A_440 = arith.constant 1 : i32
    %add3A_441 = vector.broadcast %add3A_440 : i32 to vector<16xi32>
    %add3A_442 = arith.addi %mul3A_439, %add3A_441 : vector<16xi32>
    %gather3A_443 = tpu.vector_load_idx %arg4[%broadcast_in_dim3A_324, %add3A_442] : memref<128x384xf32, #tpu.memory_space<vmem>>[vector<16xi32>, vector<16xi32>], vector<16xf32>,
    %sub3A_444 = arith.subf %gather3A_436, %gather3A_443 : vector<16xf32>
    %mul3A_445 = arith.constant 0.707106769 : f32
    %mul3A_446 = vector.broadcast %mul3A_445 : f32 to vector<16xf32>
    %mul3A_447 = arith.mulf %sub3A_444, %mul3A_446 : vector<16xf32>
    %mul3A_448 = arith.constant 2 : i32
    %mul3A_449 = vector.broadcast %mul3A_448 : i32 to vector<16xi32>
    %mul3A_450 = arith.muli %iota3A, %mul3A_449 : vector<16xi32>
    %add3A_451 = arith.constant 32 : i32
    %add3A_452 = vector.broadcast %add3A_451 : i32 to vector<16xi32>
    %add3A_453 = arith.addi %add3A_452, %mul3A_450 : vector<16xi32>
    tpu.vector_store_idx %arg10[%add3A_453], %select_n3A_432 : memref<128xf32, #tpu.memory_space<vmem>>[vector<16xi32>], vector<16xf32>,
    %add3A_454 = arith.constant 1 : i32
    %add3A_455 = vector.broadcast %add3A_454 : i32 to vector<16xi32>
    %add3A_456 = arith.addi %add3A_453, %add3A_455 : vector<16xi32>
    tpu.vector_store_idx %arg10[%add3A_456], %mul3A_447 : memref<128xf32, #tpu.memory_space<vmem>>[vector<16xi32>], vector<16xf32>,
    %add3A_457 = arith.constant 32 : i32
    %add3A_458 = arith.addi %sub3A_25, %add3A_457 : i32
    %add3A_459 = vector.broadcast %add3A_458 : i32 to vector<16xi32>
    %add3A_460 = arith.addi %add3A_459, %iota3A : vector<16xi32>
    %mul3A_461 = arith.constant 16 : i32
    %mul3A_462 = arith.muli %mul3A_461, %min3A_55 : i32
    %sub3A_463 = vector.broadcast %mul3A_462 : i32 to vector<16xi32>
    %sub3A_464 = arith.subi %add3A_460, %sub3A_463 : vector<16xi32>
    %mul3A_465 = arith.constant 64 : i32
    %mul3A_466 = arith.muli %add3A, %mul3A_465 : i32
    %add3A_467 = arith.constant 32 : i32
    %add3A_468 = arith.addi %mul3A_466, %add3A_467 : i32
    %add3A_469 = vector.broadcast %add3A_468 : i32 to vector<16xi32>
    %add3A_470 = arith.addi %add3A_469, %iota3A : vector<16xi32>
    %sub3A_471 = arith.constant 1 : i32
    %sub3A_472 = vector.broadcast %sub3A_471 : i32 to vector<16xi32>
    %sub3A_473 = arith.subi %sub3A_464, %sub3A_472 : vector<16xi32>
    %max3A_474 = arith.constant 0 : i32
    %max3A_475 = vector.broadcast %max3A_474 : i32 to vector<16xi32>
    %max3A_476 = arith.maxsi %sub3A_473, %max3A_475 : vector<16xi32>
    %add3A_477 = arith.constant 1 : i32
    %add3A_478 = vector.broadcast %add3A_477 : i32 to vector<16xi32>
    %add3A_479 = arith.addi %sub3A_464, %add3A_478 : vector<16xi32>
    %min3A_480 = arith.constant 95 : i32
    %min3A_481 = vector.broadcast %min3A_480 : i32 to vector<16xi32>
    %min3A_482 = arith.minsi %add3A_479, %min3A_481 : vector<16xi32>
    %gather3A_483 = tpu.vector_load_idx %arg7[%max3A_476] : memref<96xf32, #tpu.memory_space<vmem>>[vector<16xi32>], vector<16xf32>,
    %gather3A_484 = tpu.vector_load_idx %arg6[%sub3A_464] : memref<96xf32, #tpu.memory_space<vmem>>[vector<16xi32>], vector<16xf32>,
    %gather3A_485 = tpu.vector_load_idx %arg5[%min3A_482] : memref<96xf32, #tpu.memory_space<vmem>>[vector<16xi32>], vector<16xf32>,
    %add3A_486 = arith.addf %gather3A_483, %gather3A_484 : vector<16xf32>
    %add3A_487 = arith.addf %add3A_486, %gather3A_485 : vector<16xf32>
    %gather3A_488 = tpu.vector_load_idx %arg8[%sub3A_464] : memref<96xf32, #tpu.memory_space<vmem>>[vector<16xi32>], vector<16xf32>,
    %gather3A_489 = tpu.vector_load_idx %arg9[%sub3A_464] : memref<96xf32, #tpu.memory_space<vmem>>[vector<16xi32>], vector<16xf32>,
    %eq3A_490 = arith.constant 0 : i32
    %eq3A_491 = vector.broadcast %eq3A_490 : i32 to vector<16xi32>
    %eq3A_492 = arith.cmpi eq, %add3A_470, %eq3A_491 : vector<16xi32>
    %add3A_493 = arith.addf %gather3A_488, %gather3A_485 : vector<16xf32>
    %select_n3A_494 = arith.select %eq3A_492, %add3A_493, %add3A_487 : vector<16xi1>, vector<16xf32>
    %eq3A_495 = arith.constant 2047 : i32
    %eq3A_496 = vector.broadcast %eq3A_495 : i32 to vector<16xi32>
    %eq3A_497 = arith.cmpi eq, %add3A_470, %eq3A_496 : vector<16xi32>
    %add3A_498 = arith.addf %gather3A_489, %gather3A_483 : vector<16xf32>
    %select_n3A_499 = arith.select %eq3A_497, %add3A_498, %select_n3A_494 : vector<16xi1>, vector<16xf32>
    %mul3A_500 = arith.constant 2 : i32
    %mul3A_501 = vector.broadcast %mul3A_500 : i32 to vector<16xi32>
    %mul3A_502 = arith.muli %add3A_460, %mul3A_501 : vector<16xi32>
    %gather3A_503 = tpu.vector_load_idx %arg4[%broadcast_in_dim3A_324, %mul3A_502] : memref<128x384xf32, #tpu.memory_space<vmem>>[vector<16xi32>, vector<16xi32>], vector<16xf32>,
    %mul3A_504 = arith.constant 2 : i32
    %mul3A_505 = vector.broadcast %mul3A_504 : i32 to vector<16xi32>
    %mul3A_506 = arith.muli %add3A_460, %mul3A_505 : vector<16xi32>
    %add3A_507 = arith.constant 1 : i32
    %add3A_508 = vector.broadcast %add3A_507 : i32 to vector<16xi32>
    %add3A_509 = arith.addi %mul3A_506, %add3A_508 : vector<16xi32>
    %gather3A_510 = tpu.vector_load_idx %arg4[%broadcast_in_dim3A_324, %add3A_509] : memref<128x384xf32, #tpu.memory_space<vmem>>[vector<16xi32>, vector<16xi32>], vector<16xf32>,
    %sub3A_511 = arith.subf %gather3A_503, %gather3A_510 : vector<16xf32>
    %mul3A_512 = arith.constant 0.707106769 : f32
    %mul3A_513 = vector.broadcast %mul3A_512 : f32 to vector<16xf32>
    %mul3A_514 = arith.mulf %sub3A_511, %mul3A_513 : vector<16xf32>
    %mul3A_515 = arith.constant 2 : i32
    %mul3A_516 = vector.broadcast %mul3A_515 : i32 to vector<16xi32>
    %mul3A_517 = arith.muli %iota3A, %mul3A_516 : vector<16xi32>
    %add3A_518 = arith.constant 64 : i32
    %add3A_519 = vector.broadcast %add3A_518 : i32 to vector<16xi32>
    %add3A_520 = arith.addi %add3A_519, %mul3A_517 : vector<16xi32>
    tpu.vector_store_idx %arg10[%add3A_520], %select_n3A_499 : memref<128xf32, #tpu.memory_space<vmem>>[vector<16xi32>], vector<16xf32>,
    %add3A_521 = arith.constant 1 : i32
    %add3A_522 = vector.broadcast %add3A_521 : i32 to vector<16xi32>
    %add3A_523 = arith.addi %add3A_520, %add3A_522 : vector<16xi32>
    tpu.vector_store_idx %arg10[%add3A_523], %mul3A_514 : memref<128xf32, #tpu.memory_space<vmem>>[vector<16xi32>], vector<16xf32>,
    %add3A_524 = arith.constant 48 : i32
    %add3A_525 = arith.addi %sub3A_25, %add3A_524 : i32
    %add3A_526 = vector.broadcast %add3A_525 : i32 to vector<16xi32>
    %add3A_527 = arith.addi %add3A_526, %iota3A : vector<16xi32>
    %mul3A_528 = arith.constant 16 : i32
    %mul3A_529 = arith.muli %mul3A_528, %min3A_55 : i32
    %sub3A_530 = vector.broadcast %mul3A_529 : i32 to vector<16xi32>
    %sub3A_531 = arith.subi %add3A_527, %sub3A_530 : vector<16xi32>
    %mul3A_532 = arith.constant 64 : i32
    %mul3A_533 = arith.muli %add3A, %mul3A_532 : i32
    %add3A_534 = arith.constant 48 : i32
    %add3A_535 = arith.addi %mul3A_533, %add3A_534 : i32
    %add3A_536 = vector.broadcast %add3A_535 : i32 to vector<16xi32>
    %add3A_537 = arith.addi %add3A_536, %iota3A : vector<16xi32>
    %sub3A_538 = arith.constant 1 : i32
    %sub3A_539 = vector.broadcast %sub3A_538 : i32 to vector<16xi32>
    %sub3A_540 = arith.subi %sub3A_531, %sub3A_539 : vector<16xi32>
    %max3A_541 = arith.constant 0 : i32
    %max3A_542 = vector.broadcast %max3A_541 : i32 to vector<16xi32>
    %max3A_543 = arith.maxsi %sub3A_540, %max3A_542 : vector<16xi32>
    %add3A_544 = arith.constant 1 : i32
    %add3A_545 = vector.broadcast %add3A_544 : i32 to vector<16xi32>
    %add3A_546 = arith.addi %sub3A_531, %add3A_545 : vector<16xi32>
    %min3A_547 = arith.constant 95 : i32
    %min3A_548 = vector.broadcast %min3A_547 : i32 to vector<16xi32>
    %min3A_549 = arith.minsi %add3A_546, %min3A_548 : vector<16xi32>
    %gather3A_550 = tpu.vector_load_idx %arg7[%max3A_543] : memref<96xf32, #tpu.memory_space<vmem>>[vector<16xi32>], vector<16xf32>,
    %gather3A_551 = tpu.vector_load_idx %arg6[%sub3A_531] : memref<96xf32, #tpu.memory_space<vmem>>[vector<16xi32>], vector<16xf32>,
    %gather3A_552 = tpu.vector_load_idx %arg5[%min3A_549] : memref<96xf32, #tpu.memory_space<vmem>>[vector<16xi32>], vector<16xf32>,
    %add3A_553 = arith.addf %gather3A_550, %gather3A_551 : vector<16xf32>
    %add3A_554 = arith.addf %add3A_553, %gather3A_552 : vector<16xf32>
    %gather3A_555 = tpu.vector_load_idx %arg8[%sub3A_531] : memref<96xf32, #tpu.memory_space<vmem>>[vector<16xi32>], vector<16xf32>,
    %gather3A_556 = tpu.vector_load_idx %arg9[%sub3A_531] : memref<96xf32, #tpu.memory_space<vmem>>[vector<16xi32>], vector<16xf32>,
    %eq3A_557 = arith.constant 0 : i32
    %eq3A_558 = vector.broadcast %eq3A_557 : i32 to vector<16xi32>
    %eq3A_559 = arith.cmpi eq, %add3A_537, %eq3A_558 : vector<16xi32>
    %add3A_560 = arith.addf %gather3A_555, %gather3A_552 : vector<16xf32>
    %select_n3A_561 = arith.select %eq3A_559, %add3A_560, %add3A_554 : vector<16xi1>, vector<16xf32>
    %eq3A_562 = arith.constant 2047 : i32
    %eq3A_563 = vector.broadcast %eq3A_562 : i32 to vector<16xi32>
    %eq3A_564 = arith.cmpi eq, %add3A_537, %eq3A_563 : vector<16xi32>
    %add3A_565 = arith.addf %gather3A_556, %gather3A_550 : vector<16xf32>
    %select_n3A_566 = arith.select %eq3A_564, %add3A_565, %select_n3A_561 : vector<16xi1>, vector<16xf32>
    %mul3A_567 = arith.constant 2 : i32
    %mul3A_568 = vector.broadcast %mul3A_567 : i32 to vector<16xi32>
    %mul3A_569 = arith.muli %add3A_527, %mul3A_568 : vector<16xi32>
    %gather3A_570 = tpu.vector_load_idx %arg4[%broadcast_in_dim3A_324, %mul3A_569] : memref<128x384xf32, #tpu.memory_space<vmem>>[vector<16xi32>, vector<16xi32>], vector<16xf32>,
    %mul3A_571 = arith.constant 2 : i32
    %mul3A_572 = vector.broadcast %mul3A_571 : i32 to vector<16xi32>
    %mul3A_573 = arith.muli %add3A_527, %mul3A_572 : vector<16xi32>
    %add3A_574 = arith.constant 1 : i32
    %add3A_575 = vector.broadcast %add3A_574 : i32 to vector<16xi32>
    %add3A_576 = arith.addi %mul3A_573, %add3A_575 : vector<16xi32>
    %gather3A_577 = tpu.vector_load_idx %arg4[%broadcast_in_dim3A_324, %add3A_576] : memref<128x384xf32, #tpu.memory_space<vmem>>[vector<16xi32>, vector<16xi32>], vector<16xf32>,
    %sub3A_578 = arith.subf %gather3A_570, %gather3A_577 : vector<16xf32>
    %mul3A_579 = arith.constant 0.707106769 : f32
    %mul3A_580 = vector.broadcast %mul3A_579 : f32 to vector<16xf32>
    %mul3A_581 = arith.mulf %sub3A_578, %mul3A_580 : vector<16xf32>
    %mul3A_582 = arith.constant 2 : i32
    %mul3A_583 = vector.broadcast %mul3A_582 : i32 to vector<16xi32>
    %mul3A_584 = arith.muli %iota3A, %mul3A_583 : vector<16xi32>
    %add3A_585 = arith.constant 96 : i32
    %add3A_586 = vector.broadcast %add3A_585 : i32 to vector<16xi32>
    %add3A_587 = arith.addi %add3A_586, %mul3A_584 : vector<16xi32>
    tpu.vector_store_idx %arg10[%add3A_587], %select_n3A_566 : memref<128xf32, #tpu.memory_space<vmem>>[vector<16xi32>], vector<16xf32>,
    %add3A_588 = arith.constant 1 : i32
    %add3A_589 = vector.broadcast %add3A_588 : i32 to vector<16xi32>
    %add3A_590 = arith.addi %add3A_587, %add3A_589 : vector<16xi32>
    tpu.vector_store_idx %arg10[%add3A_590], %mul3A_581 : memref<128xf32, #tpu.memory_space<vmem>>[vector<16xi32>], vector<16xf32>,
    %get3A = arith.constant 0 : index
    %get3A_591 = tpu.vector_load %arg10[%get3A] {strides = array<i32>} : memref<128xf32, #tpu.memory_space<vmem>>, vector<16xf32>,
    %get3A_592 = arith.constant 16 : index
    %get3A_593 = tpu.vector_load %arg10[%get3A_592] {strides = array<i32>} : memref<128xf32, #tpu.memory_space<vmem>>, vector<16xf32>,
    %get3A_594 = arith.constant 32 : index
    %get3A_595 = tpu.vector_load %arg10[%get3A_594] {strides = array<i32>} : memref<128xf32, #tpu.memory_space<vmem>>, vector<16xf32>,
    %get3A_596 = arith.constant 48 : index
    %get3A_597 = tpu.vector_load %arg10[%get3A_596] {strides = array<i32>} : memref<128xf32, #tpu.memory_space<vmem>>, vector<16xf32>,
    %get3A_598 = arith.constant 64 : index
    %get3A_599 = tpu.vector_load %arg10[%get3A_598] {strides = array<i32>} : memref<128xf32, #tpu.memory_space<vmem>>, vector<16xf32>,
    %get3A_600 = arith.constant 80 : index
    %get3A_601 = tpu.vector_load %arg10[%get3A_600] {strides = array<i32>} : memref<128xf32, #tpu.memory_space<vmem>>, vector<16xf32>,
    %get3A_602 = arith.constant 96 : index
    %get3A_603 = tpu.vector_load %arg10[%get3A_602] {strides = array<i32>} : memref<128xf32, #tpu.memory_space<vmem>>, vector<16xf32>,
    %get3A_604 = arith.constant 112 : index
    %get3A_605 = tpu.vector_load %arg10[%get3A_604] {strides = array<i32>} : memref<128xf32, #tpu.memory_space<vmem>>, vector<16xf32>,
    %scan3A_606 = arith.constant 0 : i32
    %scan3A_607 = arith.constant 0 : i32
    %scan3A_608 = arith.constant 128 : i32
    %scan3A_609 = arith.addi %scan3A_607, %scan3A_608 : i32
    %scan3A_610 = arith.constant 1 : i32
    scf.for %scan3A_615 = %scan3A_607 to %scan3A_609 step %scan3A_610  : i32 {
      %broadcast_in_dim3A_616 = arith.constant 0 : i32
      %broadcast_in_dim3A_617 = vector.broadcast %broadcast_in_dim3A_616 : i32 to vector<16xi32>
      %add3A_618 = vector.broadcast %scan3A_615 : i32 to vector<16xi32>
      %add3A_619 = arith.addi %broadcast_in_dim3A_617, %add3A_618 : vector<16xi32>
      %add3A_620 = arith.constant 0 : i32
      %add3A_621 = vector.broadcast %add3A_620 : i32 to vector<16xi32>
      %add3A_622 = arith.addi %iota3A, %add3A_621 : vector<16xi32>
      tpu.vector_store_idx %arg11[%add3A_619, %add3A_622], %get3A_591 : memref<128x128xf32, #tpu.memory_space<vmem>>[vector<16xi32>, vector<16xi32>], vector<16xf32>,
      %add3A_623 = arith.constant 16 : i32
      %add3A_624 = vector.broadcast %add3A_623 : i32 to vector<16xi32>
      %add3A_625 = arith.addi %iota3A, %add3A_624 : vector<16xi32>
      tpu.vector_store_idx %arg11[%add3A_619, %add3A_625], %get3A_593 : memref<128x128xf32, #tpu.memory_space<vmem>>[vector<16xi32>, vector<16xi32>], vector<16xf32>,
      %add3A_626 = arith.constant 32 : i32
      %add3A_627 = vector.broadcast %add3A_626 : i32 to vector<16xi32>
      %add3A_628 = arith.addi %iota3A, %add3A_627 : vector<16xi32>
      tpu.vector_store_idx %arg11[%add3A_619, %add3A_628], %get3A_595 : memref<128x128xf32, #tpu.memory_space<vmem>>[vector<16xi32>, vector<16xi32>], vector<16xf32>,
      %add3A_629 = arith.constant 48 : i32
      %add3A_630 = vector.broadcast %add3A_629 : i32 to vector<16xi32>
      %add3A_631 = arith.addi %iota3A, %add3A_630 : vector<16xi32>
      tpu.vector_store_idx %arg11[%add3A_619, %add3A_631], %get3A_597 : memref<128x128xf32, #tpu.memory_space<vmem>>[vector<16xi32>, vector<16xi32>], vector<16xf32>,
      %add3A_632 = arith.constant 64 : i32
      %add3A_633 = vector.broadcast %add3A_632 : i32 to vector<16xi32>
      %add3A_634 = arith.addi %iota3A, %add3A_633 : vector<16xi32>
      tpu.vector_store_idx %arg11[%add3A_619, %add3A_634], %get3A_599 : memref<128x128xf32, #tpu.memory_space<vmem>>[vector<16xi32>, vector<16xi32>], vector<16xf32>,
      %add3A_635 = arith.constant 80 : i32
      %add3A_636 = vector.broadcast %add3A_635 : i32 to vector<16xi32>
      %add3A_637 = arith.addi %iota3A, %add3A_636 : vector<16xi32>
      tpu.vector_store_idx %arg11[%add3A_619, %add3A_637], %get3A_601 : memref<128x128xf32, #tpu.memory_space<vmem>>[vector<16xi32>, vector<16xi32>], vector<16xf32>,
      %add3A_638 = arith.constant 96 : i32
      %add3A_639 = vector.broadcast %add3A_638 : i32 to vector<16xi32>
      %add3A_640 = arith.addi %iota3A, %add3A_639 : vector<16xi32>
      tpu.vector_store_idx %arg11[%add3A_619, %add3A_640], %get3A_603 : memref<128x128xf32, #tpu.memory_space<vmem>>[vector<16xi32>, vector<16xi32>], vector<16xf32>,
      %add3A_641 = arith.constant 112 : i32
      %add3A_642 = vector.broadcast %add3A_641 : i32 to vector<16xi32>
      %add3A_643 = arith.addi %iota3A, %add3A_642 : vector<16xi32>
      tpu.vector_store_idx %arg11[%add3A_619, %add3A_643], %get3A_605 : memref<128x128xf32, #tpu.memory_space<vmem>>[vector<16xi32>, vector<16xi32>], vector<16xf32>,
    }
    %scan3A_611 = arith.constant 128 : i32
    %mul3A_612 = arith.constant 128 : i32
    %mul3A_613 = arith.muli %add3A, %mul3A_612 : i32
    %multiple_of3A_614 = tpu.assume_multiple %mul3A_613, 128 : i32
    "tpu.region"() ({
      %run_scoped3A = tpu.sem_alloc : memref<!tpu.dma_semaphore, #tpu.memory_space<semaphore_mem>>
      %dma_start3A = arith.constant 0 : i32
      %dma_start3A_615 = tpu.memref_slice %arg3[%dma_start3A, %multiple_of3A_614] : memref<128x4096xf32, #tpu.memory_space<hbm>> -> memref<128x128xf32, #tpu.memory_space<hbm>>
      %dma_start3A_616 = arith.constant 0 : i32
      %dma_start3A_617 = tpu.memref_slice %arg3[%dma_start3A_616, %multiple_of3A_614] : memref<128x4096xf32, #tpu.memory_space<hbm>> -> memref<128x128xf32, #tpu.memory_space<hbm>>
      tpu.enqueue_dma source(%arg11 : memref<128x128xf32, #tpu.memory_space<vmem>>) target(%dma_start3A_617 : memref<128x128xf32, #tpu.memory_space<hbm>>) target_semaphore(%run_scoped3A : memref<!tpu.dma_semaphore, #tpu.memory_space<semaphore_mem>>)
      %dma_wait3A = arith.constant 0 : i32
      %dma_wait3A_618 = tpu.memref_slice %arg3[%dma_wait3A, %multiple_of3A_614] : memref<128x4096xf32, #tpu.memory_space<hbm>> -> memref<128x128xf32, #tpu.memory_space<hbm>>
      %dma_wait3A_619 = arith.constant 0 : i32
      %dma_wait3A_620 = tpu.memref_slice %arg3[%dma_wait3A_619, %multiple_of3A_614] : memref<128x4096xf32, #tpu.memory_space<hbm>> -> memref<128x128xf32, #tpu.memory_space<hbm>>
      tpu.wait_dma2 semaphore(%run_scoped3A : memref<!tpu.dma_semaphore, #tpu.memory_space<semaphore_mem>>) src(%arg11 : memref<128x128xf32, #tpu.memory_space<vmem>>) dst(%dma_wait3A_620 : memref<128x128xf32, #tpu.memory_space<hbm>>)
      tpu.yield
    }) : () -> ()
    return
  }
}

</mosaic_0001>

<sc_bundles>
// kernel: kernel.3.cloned.1.call-start
scs
__scs_entry_jumppad:
0x0: {  	(pc) =	sbr.rel $0x88, $3  }
0x1: {  	(tag) =	ssettag $0x0;
	lr =	simm.s32 $0x1  }
0x2: {  	[smem:$0x3FA0] =	sst lr;
	_ =	strace $0xD0000000  }
0x3: {  	_ = 	snop  }
0x4: {  	_ = 	snop  }
0x5: {  	_ = 	snop  }
0x6: {  	_ = 	snop  }
0x7: {  	_ = 	snop  }
__scs_overlays_trampoline_lowered:
0x8: {  	[smem:$0x3FAF] =	sst s0  }
0x9: {  	[smem:$0x3FB0] =	sst s1  }
0xa: {  	[smem:$0x3FB1] =	sst s2  }
0xb: {  	[smem:$0x3FB2] =	sst s3  }
0xc: {  	[smem:$0x3FB3] =	sst s4  }
0xd: {  	[smem:$0x3FB4] =	sst s5  }
0xe: {  	[smem:$0x3FB5] =	sst s6  }
0xf: {  	[smem:$0x3FB6] =	sst s7  }
0x10: {  	[smem:$0x3FB7] =	sst s8  }
0x11: {  	[smem:$0x3FB8] =	sst s9;
	s0 =	simm.s32 @!p0 $0x0  }
0x12: {  	s1 =	sld [smem:$0x3F9E];
	s0 =	simm.s32 @p0 $0x1  }
0x13: {  	[smem:$0x3FB9] =	sst s0;
	s0 =	simm.s32 @!p1 $0x0  }
0x14: {  	s2 =	sld [smem:$0x3F9D];
	s0 =	simm.s32 @p1 $0x1  }
0x15: {  	[smem:$0x3FBA] =	sst s0;
	s0 =	simm.s32 @!p2 $0x0  }
0x16: {  	s3 =	sld [smem:$0x3FDB];
	s0 =	simm.s32 @p2 $0x1  }
0x17: {  	s4 =	simm.s32 $0x1BF5;
	[smem:$0x3FBC] =	sst s0  }
0x18: {  	s0 =	sld [smem:$0x3F9F];
	_ =	swait.ge [sflag:s4], $0x0  }
0x19: {  	s7 =	sld [smem:$0x3FA0]  }
0x1a: {  	s8 =	sadd.s32 $0xFFFFE003, lr  }
0x1b: {  	s9 =	sadd.s32 $0xFFFFFEF7, lr;
	s5 =	simm.s32 $0xFFFFFFFF;
	p2 =	slt.u32 s8, $0xFFFFF086  }
0x1c: {  	p1 =	slt.u32 s9, $0xF7A;
	s5 =	simm.s32 @!p2 $0x0  }
0x1d: {  	s5 =	simm.s32 @p1 $0x1;
	p0 =	seq.s32 s7, s2  }
0x1e: {  	s7 =	smul.u32 @!p0 $0xF7A, s2;
	p2 =	seq.s32 @!p0 s5, $0x0  }
0x1f: {  	s9 =	smul.u32 $0xF7A, s1;
	s8 =	simm.s32 @!p0 $0x1BF5;
	p2 =	por !p2, p0  }
0x20: {  	[sflag:s8] =	ssyncset.s32 @!p0 $0xFFFFF086;
	s6 =	sadd.s32 @!p0 s3, s7;
	s7 =	simm.s32 @!p0 $0x108  }
0x21: {  	s3 =	sadd.s32 s3, s9;
	s6 =	sadd.s32 @!p0 $0x88, s6;
	s7 =	simm.s32 @p2 $0x1082  }
0x22: {  	[simem:s7], [sflag:s8] =	dma.local @!p0 [hbm:s6], $0xF7A  }
0x23: {  	s9 =	sor.u32 $0xD0000000, s2;
	s6 =	simm.s32 $0x108;
	_ =	swait.ge @!p0 [sflag:s8], $0x0  }
0x24: {  	s3 =	sadd.s32 $0x88, s3;
	s6 =	simm.s32 @!p1 $0x1082;
	[sflag:s4] =	ssyncset.s32 $0xFFFFF086  }
0x25: {  	[simem:s6], [sflag:s4] =	dma.local [hbm:s3], $0xF7A  }
0x26: {  	[smem:$0x3FA0] =	sst s1;
	(tag) =	ssettag s2;
	_ =	strace s9  }
0x27: {  	s1 =	sld [smem:$0x3FB0]  }
0x28: {  	s2 =	sld [smem:$0x3FB1]  }
0x29: {  	s4 =	sld [smem:$0x3FB3]  }
0x2a: {  	p0 =	seq.s32 s5, $0x0;
	s5 =	sld [smem:$0x3FB4]  }
0x2b: {  	s6 =	sld [smem:$0x3FB5]  }
0x2c: {  	s7 =	sld [smem:$0x3FB6]  }
0x2d: {  	s3 =	simm.s32 $0x108;
	s8 =	sld [smem:$0x3FB7]  }
0x2e: {  	s3 =	simm.s32 @!p0 $0x1082;
	s9 =	sld [smem:$0x3FB8]  }
0x2f: {  	lr =	sadd.s32 s0, s3;
	s0 =	sld [smem:$0x3FAF]  }
0x30: {  	s3 =	sld [smem:$0x3FB2]  }
0x31: {  	[smem:$0x3FBB] =	sst s10  }
0x32: {  	s10 =	sld [smem:$0x3FB9];
	_ =	sdelay $0x3  }
0x33: {  	p0 =	seq.s32 s10, $0x1;
	s10 =	sld [smem:$0x3FBB];
	_ =	sdelay $0x3  }
0x34: {  	[smem:$0x3FBB] =	sst s10  }
0x35: {  	s10 =	sld [smem:$0x3FBA];
	_ =	sdelay $0x3  }
0x36: {  	p1 =	seq.s32 s10, $0x1;
	s10 =	sld [smem:$0x3FBB];
	_ =	sdelay $0x3  }
0x37: {  	[smem:$0x3FBB] =	sst s10  }
0x38: {  	s10 =	sld [smem:$0x3FBC]  }
0x39: {  	_ = 	snop;
	(pc) =	sbr.ind lr, $3  }
0x3a: {  	_ = 	snop  }
0x3b: {  	_ = 	snop  }
0x3c: {  	p2 =	seq.s32 s10, $0x1;
	s10 =	sld [smem:$0x3FBB]  }
0x3d: {  	_ =	shalt  }
0x3e: {  	_ =	shalt  }
0x3f: {  	_ =	shalt  }
0x40: {  	_ =	shalt  }
0x41: {  	_ =	shalt  }
0x42: {  	_ =	shalt  }
0x43: {  	_ =	shalt  }
0x44: {  	_ =	shalt  }
0x45: {  	_ =	shalt  }
0x46: {  	_ =	shalt  }
0x47: {  	_ =	shalt  }
0x48: {  	_ =	shalt  }
0x49: {  	_ =	shalt  }
0x4a: {  	_ =	shalt  }
0x4b: {  	_ =	shalt  }
0x4c: {  	_ =	shalt  }
0x4d: {  	_ =	shalt  }
0x4e: {  	_ =	shalt  }
0x4f: {  	_ =	shalt  }
0x50: {  	_ =	shalt  }
0x51: {  	_ =	shalt  }
0x52: {  	_ =	shalt  }
0x53: {  	_ =	shalt  }
0x54: {  	_ =	shalt  }
0x55: {  	_ =	shalt  }
0x56: {  	_ =	shalt  }
0x57: {  	_ =	shalt  }
0x58: {  	_ =	shalt  }
0x59: {  	_ =	shalt  }
0x5a: {  	_ =	shalt  }
0x5b: {  	_ =	shalt  }
0x5c: {  	_ =	shalt  }
0x5d: {  	_ =	shalt  }
0x5e: {  	_ =	shalt  }
0x5f: {  	_ =	shalt  }
0x60: {  	_ =	shalt  }
0x61: {  	_ =	shalt  }
0x62: {  	_ =	shalt  }
0x63: {  	_ =	shalt  }
0x64: {  	_ =	shalt  }
0x65: {  	_ =	shalt  }
0x66: {  	_ =	shalt  }
0x67: {  	_ =	shalt  }
0x68: {  	_ =	shalt  }
0x69: {  	_ =	shalt  }
0x6a: {  	_ =	shalt  }
0x6b: {  	_ =	shalt  }
0x6c: {  	_ =	shalt  }
0x6d: {  	_ =	shalt  }
0x6e: {  	_ =	shalt  }
0x6f: {  	_ =	shalt  }
0x70: {  	_ =	shalt  }
0x71: {  	_ =	shalt  }
0x72: {  	_ =	shalt  }
0x73: {  	_ =	shalt  }
0x74: {  	_ =	shalt  }
0x75: {  	_ =	shalt  }
0x76: {  	_ =	shalt  }
0x77: {  	_ =	shalt  }
0x78: {  	_ =	shalt  }
0x79: {  	_ =	shalt  }
0x7a: {  	_ =	shalt  }
0x7b: {  	_ =	shalt  }
0x7c: {  	_ =	shalt  }
0x7d: {  	_ =	shalt  }
0x7e: {  	_ =	shalt  }
0x7f: {  	_ =	shalt  }
0x80: {  	_ =	shalt  }
0x81: {  	_ =	shalt  }
0x82: {  	_ =	shalt  }
0x83: {  	_ =	shalt  }
0x84: {  	_ =	shalt  }
0x85: {  	_ =	shalt  }
0x86: {  	_ =	shalt  }
0x87: {  	_ =	shalt  }
.Lfunc_end0:
.L_simem_size_0:
called_computation_lowered:
.L_overlay_start_0:
0x88: {  	s2 =	sld [smem:$0x3FD9]  }
0x89: {  	s3 =	sld [smem:$0x3FFE];
	_ =	sdelay $0x1  }
0x8a: {  	s1 =	srdreg.scid  }
0x8b: {  	s0 =	sand.u32 $0x1, s1  }
0x8c: {  	s18 =	sshll.u32 s0, $0xA;
	s2 =	sadd.s32 s3, s2  }
0x8d: {  	s2 =	sadd.s32 s2, s18  }
0x8e: {  	[smem:$0x3FC7] =	sst s2  }
0x8f: {  	_ = 	snop  }
0x90: {  	s2 =	sld [smem:$0x3FC9]  }
0x91: {  	s19 =	sld [smem:$0x3FD0];
	(tm) =	ssettm $0x1  }
0x92: {  	s4 =	sld [smem:$0x3FFB];
	_ =	sdelay $0x3  }
0x93: {  	_ =	strace s4  }
0x94: {  	s4 =	sld [smem:$0x3FFC];
	_ =	sdelay $0x3  }
0x95: {  	_ =	strace s4  }
0x96: {  	s4 =	sld [smem:$0x3FFD];
	_ =	sdelay $0x3  }
0x97: {  	_ =	strace s4  }
0x98: {  	_ =	strace $0x8FFFFFFF  }
0x99: {  	s20 =	sld [smem:$0x3FDB];
	_ =	sdelay $0x1  }
0x9a: {  	s5 =	simm.s32 $_scs_section_size  }
0x9b: {  	s6 =	simm.s32 $_size__tile_overlayer_lowered;
	s7 =	simm.s32 $_tile_overlayer_lowered  }
0x9c: {  	s23 =	simm.s32 $0x1BFF;
	s22 =	sshll.u32 s7, $0x1;
	s4 =	sadd.s32 s5, s20  }
0x9d: {  	s8 =	simm.s32 $0x0;
	s21 =	sshll.u32 s6, $0x1;
	s6 =	sadd.s32 s22, s4  }
0x9e: {  	[timem:s8], [sflag:s23] =	dma.local [hbm:s6], s21  }
0x9f: {  	_ =	swait.ge [sflag:s23], s21  }
0xa0: {  	s5 =	ssub.s32 $0x0, s21;
	[sflag:s23] =	ssyncset.done $0x0  }
0xa1: {  	[sflag:s23] =	ssyncadd.s32 s5;
	_ =	sdelay $0x1  }
0xa2: {  	s24 =	simm.s32 $0x1B8B  }
0xa3: {  	_ =	swait.ge [sflag:s24], $0x1  }
0xa4: {  	[sflag:s24] =	ssyncset.done $0x0  }
0xa5: {  	s25 =	simm.s32 $0x1B8E;
	[sflag:s24] =	ssyncadd.s32 $0xFFFFFFFF  }
0xa6: {  	s26 =	simm.s32 $execute0_lowered;
	[smem:$0x3FD2] =	sst s25  }
0xa7: {  	s5 =	sshll.u32 s26, $0x1;
	_ =	strace $0x80000046;
	[dreg:$0x1] =	wrdreg $0xFFFFFFFF  }
0xa8: {  	s28 =	simm.s32 $_size_execute0_lowered;
	s4 =	sadd.s32 s4, s5;
	[dreg:$0x0] =	wrdreg $0x0  }
0xa9: {  	s5 =	sshll.u32 s28, $0x1;
	[dreg:$0x2] =	wrdreg s4  }
0xaa: {  	[dreg:$0x3] =	wrdreg s5  }
0xab: {  	[dreg:$0x4] =	wrdreg $0xC0  }
0xac: {  	_ =	task [dreg:s8], $0x5FFFF  }
0xad: {  	[dreg:$0x1] =	wrdreg $0xFFFFFFFF  }
0xae: {  	[dreg:$0x0] =	wrdreg $0x60  }
0xaf: {  	[dreg:$0x2] =	wrdreg s2  }
0xb0: {  	[dreg:$0x3] =	wrdreg s19  }
0xb1: {  	[dreg:$0x4] =	wrdreg $0x9  }
0xb2: {  	_ =	task.clear_ibuf [dreg:s8], $0x5FFFF;
	_ =	strace $0x90000046  }
0xb3: {  	s29 =	simm.s32 $0x9;
	_ =	strace $0x80000048  }
0xb4: {  	_ =	swait.ge [sflag:s29], $0x1  }
0xb5: {  	[sflag:s29] =	ssyncadd.s32 $0xFFFFFFFF  }
0xb6: {  	_ =	strace $0x90000048  }
0xb7: {  	_ =	sfence  }
0xb8: {  	s30 =	sld [smem:$0x0];
	_ =	sdelay $0x2  }
0xb9: {  	s31 =	sshll.u32 s1, $0xD;
	s1 =	sshrl.u32 s1, $0x2  }
0xba: {  	s3 =	sand.u32 $0x4000, s31;
	s1 =	sadd.s32 s1, s30  }
0xbb: {  	s0 =	sor.u32 s3, s0;
	s1 =	sshll.u32 s1, $0x11  }
0xbc: {  	s0 =	sor.u32 s1, s0  }
0xbd: {  	s0 =	sadd.s32 $0x8F2B, s0  }
0xbe: {  	[sflag:s0] =	ssyncadd.remote.s32 $0x1  }
0xbf: {  	_ =	sfence.sel $0xFFFF  }
0xc0: {  	[dreg:$0x0] =	wrdreg $0xFFFFFFFF;
	(pc) =	sbr.abs _section_cstart, $3  }
0xc1: {  	[dreg:$0x1] =	wrdreg $0xFFFFFFFF  }
0xc2: {  	_ =	task.clear_ibuf [dreg:s8], $0x2FFFF;
	_ =	strace $0x9FFFFFFF  }
0xc3: {  	(tm) =	ssettm $0x7FFFFFFF  }
tec
execute0_lowered:
.L_overlay_start_1:
0x0: {  	(tag) =	ssettag $0x1  }
0x1: {  	s1 =	srdreg.scid;
	s0 =	stileid.u32  }
0x2: {  	s6 =	sand.u32 $0x1, s1;
	s23 =	sshll.u32 s0, $0x1  }
0x3: {  	s1 =	sor.u32 s6, s23  }
0x4: {  	s4 =	sshll.u32 s1, $0x7  }
0x5: {  	s2 =	smax.u32 s4, $0x80  }
0x6: {  	s2 =	smin.u32 s2, $0xF00  }
0x7: {  	v0 =	vlaneseq.u32;
	s3 =	sadd.s32 $0xFFFFFF80, s2  }
0x8: {  	v1 =	vmul.u32 $0x2, v0;
	s5 =	sshll.u32 s1, $0x6;
	s2 =	sshrl.u32 s3, $0x1  }
0x9: {  	s1 =	ssub.s32 s5, s2  }
0xa: {  	v2 =	vor.u32 $0x1, v1;
	v23 =	vadd.s32 s1, v0;
	s28 =	sor.u32 $0x10, s1  }
0xb: {  	v42 =	vmov s5;
	s2 =	sshra.s32 s1, $0x4;
	s29 =	sor.u32 $0x20, s1;
	s1 =	sor.u32 $0x30, s1;
	v28 =	vadd.s32 s28, v0;
	v25 =	vshll.u32 v23, $0x1  }
0xc: {  	p0 =	sgt.s32 s2, $0x1;
	v26 =	vshll.u32 v23, $0x4;
	v34 =	vadd.s32 s29, v0;
	v38 =	vadd.s32 s1, v0  }
0xd: {  	s2 =	simm.s32 @!p0 $0x1;
	v25 =	vand.u32 $0x7E, v25;
	v26 =	vand.u32 $0xFFFFFC00, v26;
	v30 =	vshll.u32 v28, $0x1  }
0xe: {  	v36 =	vshll.u32 v34, $0x1;
	v40 =	vshll.u32 v38, $0x1;
	s2 =	smin.u32 s2, $0x7;
	v26 =	vor.u32 v25, v26  }
0xf: {  	v30 =	vand.u32 $0x7E, v30;
	v36 =	vand.u32 $0x7E, v36;
	v40 =	vand.u32 $0x7E, v40;
	s7 =	sadd.s32 $0xFFFFFFFF, s2;
	s2 =	sshll.u32 s2, $0x5  }
0x10: {  	v25 =	vadd.s32 $0xB780, v26;
	v26 =	vadd.s32 $0xB781, v26;
	s8 =	sshll.u32 s7, $0x5;
	v7 =	vor.u32 s2, v1  }
0x11: {  	v9 =	vor.u32 s2, v2;
	s24 =	sadd.s32 $0x20, s2;
	v3 =	vmov s8;
	v4 =	vor.u32 s8, v1  }
0x12: {  	s25 =	sadd.s32 $0x40, s2;
	v5 =	vor.u32 s8, v2;
	v10 =	vmov s24;
	v11 =	vor.u32 s24, v2  }
0x13: {  	s26 =	sadd.s32 $0x60, s2;
	s7 =	sshll.u32 s7, $0x4;
	v12 =	vmov s25;
	v13 =	vor.u32 s25, v1;
	v14 =	vor.u32 s25, v2  }
0x14: {  	v16 =	vor.u32 s26, v1;
	v18 =	vor.u32 s26, v2;
	v33 =	vmov s7  }
0x15: {  	v6 =	vshll.u32 v3, $0x3;
	v3 =	vand.u32 $0x7E, v4;
	v5 =	vand.u32 $0x7F, v5  }
0x16: {  	v10 =	vshll.u32 v10, $0x3;
	v11 =	vand.u32 $0x7F, v11;
	v15 =	vshll.u32 v12, $0x3  }
0x17: {  	v12 =	vand.u32 $0x7E, v13;
	v14 =	vand.u32 $0x7F, v14;
	v4 =	vand.u32 $0xFFFFFC00, v6  }
0x18: {  	v6 =	vmov s2;
	v10 =	vand.u32 $0xC00, v10;
	v13 =	vand.u32 $0xC00, v15  }
0x19: {  	v15 =	vmov s26;
	s2 =	sadd.s32 $0x80, s2;
	v8 =	vshll.u32 v6, $0x3;
	v6 =	vand.u32 $0x7E, v7  }
0x1a: {  	v17 =	vshll.u32 v15, $0x3;
	v15 =	vand.u32 $0x7E, v16;
	v19 =	vmov s2  }
0x1b: {  	v21 =	vor.u32 s2, v2;
	v7 =	vand.u32 $0x400, v8;
	v8 =	vand.u32 $0x7F, v9  }
0x1c: {  	v9 =	vor.u32 s24, v1;
	v16 =	vand.u32 $0xC00, v17;
	v17 =	vand.u32 $0x7F, v18  }
0x1d: {  	v18 =	vor.u32 s2, v1;
	v20 =	vshll.u32 v19, $0x3;
	v19 =	vsub.s32 v23, v33  }
0x1e: {  	v21 =	vand.u32 $0x7F, v21;
	v23 =	vsub.s32 v28, v33;
	v28 =	vshll.u32 v28, $0x4  }
0x1f: {  	v9 =	vand.u32 $0x7E, v9;
	v18 =	vand.u32 $0x7E, v18;
	v20 =	vand.u32 $0xC00, v20  }
0x20: {  	v22 =	vadd.s32 $0xFFFFFFFF, v19;
	v24 =	vadd.s32 $0x1, v19;
	v27 =	vadd.s32 $0xFFFFFFFF, v23  }
0x21: {  	v29 =	vadd.s32 $0x1, v23;
	v28 =	vand.u32 $0xFFFFFC00, v28;
	vm0 =	vgt.s32 v22, $0x0  }
0x22: {  	v31 =	vor.u32 v30, v28;
	v28 =	vsub.s32 v34, v33;
	v34 =	vshll.u32 v34, $0x4  }
0x23: {  	v33 =	vsub.s32 v38, v33;
	v38 =	vshll.u32 v38, $0x4;
	v22 =	vnsel vm0, $0x0, v22  }
0x24: {  	vm0 =	vlt.s32 v24, $0x5F;
	v30 =	vadd.s32 $0xB780, v31;
	v32 =	vadd.s32 $0xFFFFFFFF, v28  }
0x25: {  	s30 =	rddreg [dreg:$0x0];
	v31 =	vadd.s32 $0xB781, v31;
	v35 =	vadd.s32 $0x1, v28;
	v37 =	vand.u32 $0xFFFFFC00, v34  }
0x26: {  	s31 =	rddreg [dreg:$0x1];
	s10 =	simm.s32 $0xC080;
	s11 =	simm.s32 $0xC000;
	v39 =	vadd.s32 $0xFFFFFFFF, v33;
	v63 =	vadd.s32 $0x1, v33;
	v41 =	vand.u32 $0xFFFFFC00, v38  }
0x27: {  	s13 =	simm.s32 $0xC200;
	s14 =	simm.s32 $0xC280;
	s6 =	ssub.s32 $0x2, s6;
	v24 =	vnsel vm0, $0x5F, v24;
	vm0 =	vgt.s32 v27, $0x0;
	v36 =	vor.u32 v36, v37  }
0x28: {  	s15 =	simm.s32 $0xC300;
	s16 =	simm.s32 $0x400;
	s9 =	sshrl.u32 s6, $0x1;
	v41 =	vor.u32 v40, v41;
	v27 =	vnsel vm0, $0x0, v27;
	vm0 =	vlt.s32 v29, $0x5F  }
0x29: {  	s17 =	simm.s32 $0x0;
	s6 =	ssub.s32 s6, s9;
	s12 =	sor.u32 $0x30, s5;
	v40 =	vadd.s32 $0xB780, v41;
	v29 =	vnsel vm0, $0x5F, v29;
	vm0 =	vgt.s32 v32, $0x0  }
0x2a: {  	s4 =	sadd.s32 s31, s4;
	s9 =	simm.s32 $0xC100;
	s3 =	sadd.s32 s30, s3;
	v41 =	vadd.s32 $0xB781, v41;
	v32 =	vnsel vm0, $0x0, v32;
	vm0 =	vlt.s32 v35, $0x5F  }
0x2b: {  	s5 =	smax.u32 s6, $0x1;
	s1 =	rddreg [dreg:$0x2];
	s2 =	simm.s32 $0x0;
	v34 =	vnsel vm0, $0x5F, v35;
	vm0 =	vgt.s32 v39, $0x0;
	v35 =	vadd.s32 $0xB780, v36  }
0x2c: {  	s6 =	simm.s32 $0xC00;
	s7 =	simm.s32 $0x8000;
	[smem:$0x7FF] =	sst s2;
	[tilespmem:$0x1FFF0] =	vst v22;
	v36 =	vadd.s32 $0xB781, v36;
	v37 =	vnsel vm0, $0x0, v39;
	vm0 =	vlt.s32 v63, $0x5F  }
0x2d: {  	s8 =	simm.s32 $0x1;
	_ =	strace $0x80000047;
	v39 =	vmov s12;
	s12 =	simm.s32 $0xC180;
	v38 =	vnsel vm0, $0x5F, v63;
	vm0 =	veq.s32 v42, v0  }
.LBB2_1:
0x2e: {  	v42 =	vmov s2  }
0x2f: {  	v43 =	vshrl.u32 v42, $0x3  }
0x30: {  	v42 =	vshll.u32 v42, $0x7;
	v43 =	vmul.u32 $0xC00, v43  }
0x31: {  	s18 =	simm.s32 $0x1;
	v42 =	vand.u32 $0x380, v42  }
0x32: {  	v61 =	vmov s18;
	v44 =	vor.u32 v3, v42;
	v43 =	vadd.s32 v4, v43  }
0x33: {  	v45 =	vshrl.u32 v61, $0x3;
	v42 =	vor.u32 v5, v42;
	v44 =	vor.u32 v43, v44  }
0x34: {  	[tilespmem:s2], [sflag:$0x1] =	stream.strided.gather [hbm4b:s3+s6], $0xC000, s7, s6, $0x38;
	v45 =	vmul.u32 $0xC00, v45;
	v42 =	vor.u32 v43, v42;
	v43 =	vshll.u32 v61, $0x7;
	[tilespmem:$0x10300] =	vst v63  }
0x35: {  	_ =	swait.ge [sflag:s8], $0xC000;
	v43 =	vand.u32 $0x380, v43  }
0x36: {  	[sflag:s8] =	ssyncset.done $0x0;
	v45 =	vadd.s32 v4, v45;
	v46 =	vor.u32 v3, v43  }
0x37: {  	[sflag:s8] =	ssyncadd.s32 $0xFFFF4000;
	v43 =	vor.u32 v5, v43;
	v46 =	vor.u32 v45, v46  }
0x38: {  	v45 =	vor.u32 v45, v43;
	v44 =	vld.idx.msk [tilespmem:v44+s2+$0x0], $0xffff  }
0x39: {  	s30 =	simm.s32 $0x2;
	v42 =	vld.idx.msk [tilespmem:v42+s2+$0x0], $0xffff  }
0x3a: {  	v47 =	vmov s30  }
0x3b: {  	v48 =	vshrl.u32 v47, $0x3;
	v47 =	vshll.u32 v47, $0x7  }
0x3c: {  	s31 =	simm.s32 $0x3;
	v48 =	vmul.u32 $0xC00, v48;
	v62 =	vand.u32 $0x380, v47;
	v51 =	vld.idx.msk [tilespmem:v46+s2+$0x0], $0xffff  }
0x3d: {  	v52 =	vmov s31;
	v47 =	vor.u32 v3, v62;
	v54 =	vld.idx.msk [tilespmem:v45+s2+$0x0], $0xffff  }
0x3e: {  	v63 =	vadd.s32 v4, v48;
	v43 =	vadd.f32 v42, v44;
	v44 =	vsub.f32 v44, v42  }
0x3f: {  	v53 =	vshrl.u32 v52, $0x3;
	v49 =	vor.u32 v63, v47;
	v46 =	vor.u32 v5, v62  }
0x40: {  	v50 =	vor.u32 v63, v46;
	vm2 =	vlt.s32 v43, $0x0;
	vm1 =	vge.s32 v44, $0x0  }
0x41: {  	v42 =	vimm.f32 $0.0e+00;
	vm4 =	vlt.s32 v44, $0x0;
	vm3 =	vmand vm2, vm1  }
0x42: {  	vm1 =	vge.s32 v43, $0x0;
	vm2 =	vmxor vm2, vm4;
	v48 =	vadd.f32 v54, v51  }
0x43: {  	v51 =	vsub.f32 v51, v54;
	v47 =	vsel vm3, v42, v43;
	vm1 =	vmand vm4, vm1  }
0x44: {  	s18 =	simm.s32 $0x4;
	v44 =	vsel vm3, v43, v42;
	v45 =	vsel vm2, v42, v43;
	v46 =	vsel vm1, v43, v42  }
.LBB2_2:
0x45: {  	p0 =	sne.s32 s18, $0x7F;
	v53 =	vmul.u32 $0xC00, v53;
	v52 =	vshll.u32 v52, $0x7;
	v54 =	vld.idx.msk [tilespmem:v49+s2+$0x0], $0xffff;
	v42 =	vsel vm1, v42, v43  }
0x46: {  	v52 =	vand.u32 $0x380, v52;
	v55 =	vld.idx.msk [tilespmem:v50+s2+$0x0], $0xffff;
	vm2 =	vlt.s32 v48, $0x0;
	vm1 =	vge.s32 v51, $0x0;
	v43 =	vmovc v48  }
0x47: {  	v48 =	vadd.s32 v4, v53;
	v49 =	vor.u32 v3, v52;
	vm3 =	vmand vm2, vm1  }
.Ltmp0:
0x48: {  	v50 =	vor.u32 v5, v52;
	v49 =	vor.u32 v48, v49;
	v47 =	vsel vm3, v47, v43;
	(pc) =	sbr.rel @p0 .LBB2_2-.Ltmp0, $4  }
0x49: {  	vm4 =	vlt.s32 v51, $0x0;
	vm1 =	vge.s32 v43, $0x0;
	v50 =	vor.u32 v48, v50  }
0x4a: {  	vm2 =	vmxor vm2, vm4;
	vm1 =	vmand vm4, vm1;
	v44 =	vsel vm3, v43, v44  }
0x4b: {  	v52 =	vmov s18;
	v45 =	vsel vm2, v45, v43;
	v46 =	vsel vm1, v43, v46  }
0x4c: {  	s18 =	sadd.s32 $0x1, s18;
	v53 =	vshrl.u32 v52, $0x3;
	v48 =	vadd.f32 v55, v54;
	v51 =	vsub.f32 v54, v55  }
0x4d: {  	_ = 	snop  }
0x4e: {  	v53 =	vmul.u32 $0xC00, v53;
	v52 =	vshll.u32 v52, $0x7  }
0x4f: {  	v52 =	vand.u32 $0x380, v52  }
0x50: {  	v53 =	vadd.s32 v4, v53;
	v54 =	vor.u32 v3, v52  }
0x51: {  	v49 =	vld.idx.msk [tilespmem:v49+s2+$0x0], $0xffff;
	v52 =	vor.u32 v5, v52;
	v54 =	vor.u32 v53, v54  }
0x52: {  	v50 =	vld.idx.msk [tilespmem:v50+s2+$0x0], $0xffff;
	v42 =	vsel vm1, v42, v43;
	s18 =	simm.s32 $0x0;
	vm2 =	vlt.s32 v48, $0x0;
	v52 =	vor.u32 v53, v52  }
0x53: {  	vm3 =	vge.s32 v51, $0x0;
	vm4 =	vge.s32 v48, $0x0;
	v60 =	vmov s18  }
0x54: {  	vm1 =	vmand vm2, vm3;
	vm3 =	vlt.s32 v51, $0x0;
	v61 =	vshrl.u32 v60, $0x3  }
0x55: {  	s29 =	simm.s32 $0x1;
	v63 =	vsel vm1, v47, v48;
	vm2 =	vmxor vm2, vm3;
	vm3 =	vmand vm3, vm4  }
0x56: {  	v44 =	vsel vm1, v48, v44;
	v47 =	vshll.u32 v60, $0x7;
	v53 =	vmov s29;
	v56 =	vld.idx.msk [tilespmem:v54+s2+$0x0], $0xffff  }
0x57: {  	v45 =	vsel vm2, v45, v48;
	v46 =	vsel vm3, v48, v46;
	v55 =	vadd.f32 v50, v49;
	v57 =	vld.idx.msk [tilespmem:v52+s2+$0x0], $0xffff  }
0x58: {  	v42 =	vsel vm3, v42, v48;
	v47 =	vand.u32 $0x380, v47;
	v49 =	vsub.f32 v49, v50  }
0x59: {  	v62 =	vor.u32 v6, v47;
	v47 =	vor.u32 v8, v47;
	vm1 =	vlt.s32 v55, $0x0  }
0x5a: {  	vm2 =	vge.s32 v49, $0x0;
	vm13 =	vge.s32 v55, $0x0;
	vm5 =	vlt.s32 v49, $0x0  }
0x5b: {  	v49 =	vmul.u32 $0xC00, v61;
	vm2 =	vmand vm1, vm2;
	vm3 =	vmand vm5, vm13  }
0x5c: {  	vm1 =	vmxor vm1, vm5;
	v58 =	vadd.f32 v57, v56;
	v59 =	vsub.f32 v56, v57  }
0x5d: {  	v43 =	vsel vm2, v63, v55;
	v44 =	vsel vm2, v55, v44;
	v45 =	vsel vm1, v45, v55  }
0x5e: {  	v46 =	vsel vm3, v55, v46;
	vm1 =	vlt.s32 v58, $0x0;
	vm2 =	vge.s32 v59, $0x0  }
0x5f: {  	v42 =	vsel vm3, v42, v55;
	vm14 =	vlt.s32 v59, $0x0;
	vm2 =	vmand vm1, vm2  }
0x60: {  	vm3 =	vge.s32 v58, $0x0;
	vm1 =	vmxor vm1, vm14;
	v44 =	vsel vm2, v58, v44  }
0x61: {  	vm3 =	vmand vm14, vm3;
	v45 =	vsel vm1, v45, v58;
	v44 =	vmul.f32 $7.071067690e-01, v44  }
0x62: {  	v49 =	vadd.s32 v7, v49;
	v42 =	vsel vm3, v42, v58;
	v45 =	vmul.f32 $7.071067690e-01, v45  }
0x63: {  	v51 =	vor.u32 v49, v62;
	v43 =	vsel vm2, v43, v58;
	v42 =	vmul.f32 $7.071067690e-01, v42;
	[tilespmem:$0xC000] =	vst v44  }
0x64: {  	v52 =	vor.u32 v49, v47;
	v46 =	vsel vm3, v58, v46;
	v43 =	vmul.f32 $7.071067690e-01, v43;
	[tilespmem:$0xC080] =	vst v45  }
0x65: {  	v54 =	vshrl.u32 v53, $0x3;
	v63 =	vmul.f32 $7.071067690e-01, v46;
	[tilespmem:$0xC180] =	vst v42  }
0x66: {  	[tilespmem:$0xC200] =	vst v43;
	v43 =	vmul.u32 $0xC00, v54;
	v42 =	vshll.u32 v53, $0x7  }
0x67: {  	[tilespmem:$0xC100] =	vst v63;
	v42 =	vand.u32 $0x380, v42  }
0x68: {  	v44 =	vld.idx.msk [tilespmem:v51+s2+$0x0], $0xffff;
	v43 =	vadd.s32 v7, v43;
	v55 =	vor.u32 v6, v42  }
0x69: {  	s30 =	simm.s32 $0x2;
	v45 =	vld.idx.msk [tilespmem:v52+s2+$0x0], $0xffff;
	v42 =	vor.u32 v8, v42;
	v46 =	vor.u32 v43, v55  }
0x6a: {  	v57 =	vmov s30;
	v56 =	vor.u32 v43, v42  }
0x6b: {  	v48 =	vshll.u32 v57, $0x7;
	v58 =	vshrl.u32 v57, $0x3  }
0x6c: {  	s31 =	simm.s32 $0x3;
	v61 =	vand.u32 $0x380, v48;
	v59 =	vmul.u32 $0xC00, v58  }
0x6d: {  	v63 =	vor.u32 v6, v61;
	v52 =	vmov s31  }
0x6e: {  	v43 =	vadd.f32 v45, v44;
	v44 =	vsub.f32 v44, v45;
	v45 =	vadd.s32 v7, v59;
	v60 =	vld.idx.msk [tilespmem:v46+s2+$0x0], $0xffff  }
0x6f: {  	v53 =	vshrl.u32 v52, $0x3;
	v42 =	vimm.f32 $0.0e+00;
	v49 =	vor.u32 v45, v63;
	v62 =	vld.idx.msk [tilespmem:v56+s2+$0x0], $0xffff  }
0x70: {  	vm2 =	vlt.s32 v43, $0x0;
	vm1 =	vge.s32 v44, $0x0;
	v46 =	vor.u32 v8, v61  }
0x71: {  	vm15 =	vlt.s32 v44, $0x0;
	vm3 =	vmand vm2, vm1;
	v50 =	vor.u32 v45, v46  }
0x72: {  	vm1 =	vge.s32 v43, $0x0;
	vm2 =	vmxor vm2, vm15;
	v47 =	vsel vm3, v42, v43  }
0x73: {  	vm1 =	vmand vm15, vm1;
	v44 =	vsel vm3, v43, v42;
	v45 =	vsel vm2, v42, v43  }
0x74: {  	s18 =	simm.s32 $0x4;
	v46 =	vsel vm1, v43, v42;
	v48 =	vadd.f32 v62, v60;
	v51 =	vsub.f32 v60, v62  }
.LBB2_4:
0x75: {  	p0 =	sne.s32 s18, $0x7F;
	v53 =	vmul.u32 $0xC00, v53;
	v52 =	vshll.u32 v52, $0x7;
	v54 =	vld.idx.msk [tilespmem:v49+s2+$0x0], $0xffff;
	v42 =	vsel vm1, v42, v43  }
0x76: {  	v52 =	vand.u32 $0x380, v52;
	v55 =	vld.idx.msk [tilespmem:v50+s2+$0x0], $0xffff;
	vm2 =	vlt.s32 v48, $0x0;
	vm1 =	vge.s32 v51, $0x0;
	v43 =	vmovc v48  }
0x77: {  	v48 =	vadd.s32 v7, v53;
	v49 =	vor.u32 v6, v52;
	vm3 =	vmand vm2, vm1  }
.Ltmp1:
0x78: {  	v50 =	vor.u32 v8, v52;
	v49 =	vor.u32 v48, v49;
	v47 =	vsel vm3, v47, v43;
	(pc) =	sbr.rel @p0 .LBB2_4-.Ltmp1, $4  }
0x79: {  	vm4 =	vlt.s32 v51, $0x0;
	vm1 =	vge.s32 v43, $0x0;
	v50 =	vor.u32 v48, v50  }
0x7a: {  	vm2 =	vmxor vm2, vm4;
	vm1 =	vmand vm4, vm1;
	v44 =	vsel vm3, v43, v44  }
0x7b: {  	v52 =	vmov s18;
	v45 =	vsel vm2, v45, v43;
	v46 =	vsel vm1, v43, v46  }
0x7c: {  	s18 =	sadd.s32 $0x1, s18;
	v53 =	vshrl.u32 v52, $0x3;
	v48 =	vadd.f32 v55, v54;
	v51 =	vsub.f32 v54, v55  }
0x7d: {  	_ = 	snop  }
0x7e: {  	v53 =	vmul.u32 $0xC00, v53;
	v52 =	vshll.u32 v52, $0x7  }
0x7f: {  	v52 =	vand.u32 $0x380, v52  }
0x80: {  	v53 =	vadd.s32 v7, v53;
	v54 =	vor.u32 v6, v52  }
0x81: {  	v49 =	vld.idx.msk [tilespmem:v49+s2+$0x0], $0xffff;
	v52 =	vor.u32 v8, v52;
	v54 =	vor.u32 v53, v54  }
0x82: {  	v50 =	vld.idx.msk [tilespmem:v50+s2+$0x0], $0xffff;
	v42 =	vsel vm1, v42, v43;
	s18 =	simm.s32 $0x0;
	vm2 =	vlt.s32 v48, $0x0;
	v52 =	vor.u32 v53, v52  }
0x83: {  	vm3 =	vge.s32 v51, $0x0;
	vm4 =	vge.s32 v48, $0x0;
	v60 =	vmov s18  }
0x84: {  	vm1 =	vmand vm2, vm3;
	vm3 =	vlt.s32 v51, $0x0;
	v61 =	vshrl.u32 v60, $0x3  }
0x85: {  	s29 =	simm.s32 $0x1;
	v63 =	vsel vm1, v47, v48;
	vm2 =	vmxor vm2, vm3;
	vm3 =	vmand vm3, vm4  }
0x86: {  	v44 =	vsel vm1, v48, v44;
	v47 =	vshll.u32 v60, $0x7;
	v53 =	vmov s29;
	v56 =	vld.idx.msk [tilespmem:v54+s2+$0x0], $0xffff  }
0x87: {  	v45 =	vsel vm2, v45, v48;
	v46 =	vsel vm3, v48, v46;
	v55 =	vadd.f32 v50, v49;
	v57 =	vld.idx.msk [tilespmem:v52+s2+$0x0], $0xffff  }
0x88: {  	v42 =	vsel vm3, v42, v48;
	v47 =	vand.u32 $0x380, v47;
	v49 =	vsub.f32 v49, v50  }
0x89: {  	v62 =	vor.u32 v9, v47;
	v47 =	vor.u32 v11, v47;
	vm1 =	vlt.s32 v55, $0x0  }
0x8a: {  	vm2 =	vge.s32 v49, $0x0;
	vm13 =	vge.s32 v55, $0x0;
	vm5 =	vlt.s32 v49, $0x0  }
0x8b: {  	v49 =	vmul.u32 $0xC00, v61;
	vm2 =	vmand vm1, vm2;
	vm3 =	vmand vm5, vm13  }
0x8c: {  	vm1 =	vmxor vm1, vm5;
	v58 =	vadd.f32 v57, v56;
	v59 =	vsub.f32 v56, v57  }
0x8d: {  	v43 =	vsel vm2, v63, v55;
	v44 =	vsel vm2, v55, v44;
	v45 =	vsel vm1, v45, v55  }
0x8e: {  	v46 =	vsel vm3, v55, v46;
	vm1 =	vlt.s32 v58, $0x0;
	vm2 =	vge.s32 v59, $0x0  }
0x8f: {  	v42 =	vsel vm3, v42, v55;
	vm14 =	vlt.s32 v59, $0x0;
	vm2 =	vmand vm1, vm2  }
0x90: {  	vm3 =	vge.s32 v58, $0x0;
	vm1 =	vmxor vm1, vm14;
	v44 =	vsel vm2, v58, v44  }
0x91: {  	vm3 =	vmand vm14, vm3;
	v45 =	vsel vm1, v45, v58;
	v44 =	vmul.f32 $7.071067690e-01, v44  }
0x92: {  	v49 =	vadd.s32 v10, v49;
	v42 =	vsel vm3, v42, v58;
	v45 =	vmul.f32 $7.071067690e-01, v45  }
0x93: {  	v51 =	vor.u32 v49, v62;
	v43 =	vsel vm2, v43, v58;
	v42 =	vmul.f32 $7.071067690e-01, v42;
	[tilespmem:$0xC010] =	vst v44  }
0x94: {  	v52 =	vor.u32 v49, v47;
	v46 =	vsel vm3, v58, v46;
	v43 =	vmul.f32 $7.071067690e-01, v43;
	[tilespmem:$0xC090] =	vst v45  }
0x95: {  	v54 =	vshrl.u32 v53, $0x3;
	v63 =	vmul.f32 $7.071067690e-01, v46;
	[tilespmem:$0xC190] =	vst v42  }
0x96: {  	[tilespmem:$0xC210] =	vst v43;
	v43 =	vmul.u32 $0xC00, v54;
	v42 =	vshll.u32 v53, $0x7  }
0x97: {  	[tilespmem:$0xC110] =	vst v63;
	v42 =	vand.u32 $0x380, v42  }
0x98: {  	v44 =	vld.idx.msk [tilespmem:v51+s2+$0x0], $0xffff;
	v43 =	vadd.s32 v10, v43;
	v55 =	vor.u32 v9, v42  }
0x99: {  	s30 =	simm.s32 $0x2;
	v45 =	vld.idx.msk [tilespmem:v52+s2+$0x0], $0xffff;
	v42 =	vor.u32 v11, v42;
	v46 =	vor.u32 v43, v55  }
0x9a: {  	v57 =	vmov s30;
	v56 =	vor.u32 v43, v42  }
0x9b: {  	v48 =	vshll.u32 v57, $0x7;
	v58 =	vshrl.u32 v57, $0x3  }
0x9c: {  	s31 =	simm.s32 $0x3;
	v61 =	vand.u32 $0x380, v48;
	v59 =	vmul.u32 $0xC00, v58  }
0x9d: {  	v63 =	vor.u32 v9, v61;
	v52 =	vmov s31  }
0x9e: {  	v43 =	vadd.f32 v45, v44;
	v44 =	vsub.f32 v44, v45;
	v45 =	vadd.s32 v10, v59;
	v60 =	vld.idx.msk [tilespmem:v46+s2+$0x0], $0xffff  }
0x9f: {  	v53 =	vshrl.u32 v52, $0x3;
	v42 =	vimm.f32 $0.0e+00;
	v49 =	vor.u32 v45, v63;
	v62 =	vld.idx.msk [tilespmem:v56+s2+$0x0], $0xffff  }
0xa0: {  	vm2 =	vlt.s32 v43, $0x0;
	vm1 =	vge.s32 v44, $0x0;
	v46 =	vor.u32 v11, v61  }
0xa1: {  	vm15 =	vlt.s32 v44, $0x0;
	vm3 =	vmand vm2, vm1;
	v50 =	vor.u32 v45, v46  }
0xa2: {  	vm1 =	vge.s32 v43, $0x0;
	vm2 =	vmxor vm2, vm15;
	v47 =	vsel vm3, v42, v43  }
0xa3: {  	vm1 =	vmand vm15, vm1;
	v44 =	vsel vm3, v43, v42;
	v45 =	vsel vm2, v42, v43  }
0xa4: {  	s18 =	simm.s32 $0x4;
	v46 =	vsel vm1, v43, v42;
	v48 =	vadd.f32 v62, v60;
	v51 =	vsub.f32 v60, v62  }
.LBB2_6:
0xa5: {  	p0 =	sne.s32 s18, $0x7F;
	v53 =	vmul.u32 $0xC00, v53;
	v52 =	vshll.u32 v52, $0x7;
	v54 =	vld.idx.msk [tilespmem:v49+s2+$0x0], $0xffff;
	v42 =	vsel vm1, v42, v43  }
0xa6: {  	v52 =	vand.u32 $0x380, v52;
	v55 =	vld.idx.msk [tilespmem:v50+s2+$0x0], $0xffff;
	vm2 =	vlt.s32 v48, $0x0;
	vm1 =	vge.s32 v51, $0x0;
	v43 =	vmovc v48  }
0xa7: {  	v48 =	vadd.s32 v10, v53;
	v49 =	vor.u32 v9, v52;
	vm3 =	vmand vm2, vm1  }
.Ltmp2:
0xa8: {  	v50 =	vor.u32 v11, v52;
	v49 =	vor.u32 v48, v49;
	v47 =	vsel vm3, v47, v43;
	(pc) =	sbr.rel @p0 .LBB2_6-.Ltmp2, $4  }
0xa9: {  	vm4 =	vlt.s32 v51, $0x0;
	vm1 =	vge.s32 v43, $0x0;
	v50 =	vor.u32 v48, v50  }
0xaa: {  	vm2 =	vmxor vm2, vm4;
	vm1 =	vmand vm4, vm1;
	v44 =	vsel vm3, v43, v44  }
0xab: {  	v52 =	vmov s18;
	v45 =	vsel vm2, v45, v43;
	v46 =	vsel vm1, v43, v46  }
0xac: {  	s18 =	sadd.s32 $0x1, s18;
	v53 =	vshrl.u32 v52, $0x3;
	v48 =	vadd.f32 v55, v54;
	v51 =	vsub.f32 v54, v55  }
0xad: {  	_ = 	snop  }
0xae: {  	v53 =	vmul.u32 $0xC00, v53;
	v52 =	vshll.u32 v52, $0x7  }
0xaf: {  	v52 =	vand.u32 $0x380, v52  }
0xb0: {  	v53 =	vadd.s32 v10, v53;
	v54 =	vor.u32 v9, v52  }
0xb1: {  	v49 =	vld.idx.msk [tilespmem:v49+s2+$0x0], $0xffff;
	v52 =	vor.u32 v11, v52;
	v54 =	vor.u32 v53, v54  }
0xb2: {  	v50 =	vld.idx.msk [tilespmem:v50+s2+$0x0], $0xffff;
	v42 =	vsel vm1, v42, v43;
	s18 =	simm.s32 $0x0;
	vm2 =	vlt.s32 v48, $0x0;
	v52 =	vor.u32 v53, v52  }
0xb3: {  	vm3 =	vge.s32 v51, $0x0;
	vm4 =	vge.s32 v48, $0x0;
	v60 =	vmov s18  }
0xb4: {  	vm1 =	vmand vm2, vm3;
	vm3 =	vlt.s32 v51, $0x0;
	v61 =	vshrl.u32 v60, $0x3  }
0xb5: {  	s29 =	simm.s32 $0x1;
	v63 =	vsel vm1, v47, v48;
	vm2 =	vmxor vm2, vm3;
	vm3 =	vmand vm3, vm4  }
0xb6: {  	v44 =	vsel vm1, v48, v44;
	v47 =	vshll.u32 v60, $0x7;
	v53 =	vmov s29;
	v56 =	vld.idx.msk [tilespmem:v54+s2+$0x0], $0xffff  }
0xb7: {  	v45 =	vsel vm2, v45, v48;
	v46 =	vsel vm3, v48, v46;
	v55 =	vadd.f32 v50, v49;
	v57 =	vld.idx.msk [tilespmem:v52+s2+$0x0], $0xffff  }
0xb8: {  	v42 =	vsel vm3, v42, v48;
	v47 =	vand.u32 $0x380, v47;
	v49 =	vsub.f32 v49, v50  }
0xb9: {  	v62 =	vor.u32 v12, v47;
	v47 =	vor.u32 v14, v47;
	vm1 =	vlt.s32 v55, $0x0  }
0xba: {  	vm2 =	vge.s32 v49, $0x0;
	vm13 =	vge.s32 v55, $0x0;
	vm5 =	vlt.s32 v49, $0x0  }
0xbb: {  	v49 =	vmul.u32 $0xC00, v61;
	vm2 =	vmand vm1, vm2;
	vm3 =	vmand vm5, vm13  }
0xbc: {  	vm1 =	vmxor vm1, vm5;
	v58 =	vadd.f32 v57, v56;
	v59 =	vsub.f32 v56, v57  }
0xbd: {  	v43 =	vsel vm2, v63, v55;
	v44 =	vsel vm2, v55, v44;
	v45 =	vsel vm1, v45, v55  }
0xbe: {  	v46 =	vsel vm3, v55, v46;
	vm1 =	vlt.s32 v58, $0x0;
	vm2 =	vge.s32 v59, $0x0  }
0xbf: {  	v42 =	vsel vm3, v42, v55;
	vm14 =	vlt.s32 v59, $0x0;
	vm2 =	vmand vm1, vm2  }
0xc0: {  	vm3 =	vge.s32 v58, $0x0;
	vm1 =	vmxor vm1, vm14;
	v44 =	vsel vm2, v58, v44  }
0xc1: {  	vm3 =	vmand vm14, vm3;
	v45 =	vsel vm1, v45, v58;
	v44 =	vmul.f32 $7.071067690e-01, v44  }
0xc2: {  	v49 =	vadd.s32 v13, v49;
	v42 =	vsel vm3, v42, v58;
	v45 =	vmul.f32 $7.071067690e-01, v45  }
0xc3: {  	v51 =	vor.u32 v49, v62;
	v43 =	vsel vm2, v43, v58;
	v42 =	vmul.f32 $7.071067690e-01, v42;
	[tilespmem:$0xC020] =	vst v44  }
0xc4: {  	v52 =	vor.u32 v49, v47;
	v46 =	vsel vm3, v58, v46;
	v43 =	vmul.f32 $7.071067690e-01, v43;
	[tilespmem:$0xC0A0] =	vst v45  }
0xc5: {  	v54 =	vshrl.u32 v53, $0x3;
	v63 =	vmul.f32 $7.071067690e-01, v46;
	[tilespmem:$0xC1A0] =	vst v42  }
0xc6: {  	[tilespmem:$0xC220] =	vst v43;
	v43 =	vmul.u32 $0xC00, v54;
	v42 =	vshll.u32 v53, $0x7  }
0xc7: {  	[tilespmem:$0xC120] =	vst v63;
	v42 =	vand.u32 $0x380, v42  }
0xc8: {  	v44 =	vld.idx.msk [tilespmem:v51+s2+$0x0], $0xffff;
	v43 =	vadd.s32 v13, v43;
	v55 =	vor.u32 v12, v42  }
0xc9: {  	s30 =	simm.s32 $0x2;
	v45 =	vld.idx.msk [tilespmem:v52+s2+$0x0], $0xffff;
	v42 =	vor.u32 v14, v42;
	v46 =	vor.u32 v43, v55  }
0xca: {  	v57 =	vmov s30;
	v56 =	vor.u32 v43, v42  }
0xcb: {  	v48 =	vshll.u32 v57, $0x7;
	v58 =	vshrl.u32 v57, $0x3  }
0xcc: {  	s31 =	simm.s32 $0x3;
	v61 =	vand.u32 $0x380, v48;
	v59 =	vmul.u32 $0xC00, v58  }
0xcd: {  	v63 =	vor.u32 v12, v61;
	v52 =	vmov s31  }
0xce: {  	v43 =	vadd.f32 v45, v44;
	v44 =	vsub.f32 v44, v45;
	v45 =	vadd.s32 v13, v59;
	v60 =	vld.idx.msk [tilespmem:v46+s2+$0x0], $0xffff  }
0xcf: {  	v53 =	vshrl.u32 v52, $0x3;
	v42 =	vimm.f32 $0.0e+00;
	v49 =	vor.u32 v45, v63;
	v62 =	vld.idx.msk [tilespmem:v56+s2+$0x0], $0xffff  }
0xd0: {  	vm2 =	vlt.s32 v43, $0x0;
	vm1 =	vge.s32 v44, $0x0;
	v46 =	vor.u32 v14, v61  }
0xd1: {  	vm15 =	vlt.s32 v44, $0x0;
	vm3 =	vmand vm2, vm1;
	v50 =	vor.u32 v45, v46  }
0xd2: {  	vm1 =	vge.s32 v43, $0x0;
	vm2 =	vmxor vm2, vm15;
	v47 =	vsel vm3, v42, v43  }
0xd3: {  	vm1 =	vmand vm15, vm1;
	v44 =	vsel vm3, v43, v42;
	v45 =	vsel vm2, v42, v43  }
0xd4: {  	s18 =	simm.s32 $0x4;
	v46 =	vsel vm1, v43, v42;
	v48 =	vadd.f32 v62, v60;
	v51 =	vsub.f32 v60, v62  }
.LBB2_8:
0xd5: {  	p0 =	sne.s32 s18, $0x7F;
	v53 =	vmul.u32 $0xC00, v53;
	v52 =	vshll.u32 v52, $0x7;
	v54 =	vld.idx.msk [tilespmem:v49+s2+$0x0], $0xffff;
	v42 =	vsel vm1, v42, v43  }
0xd6: {  	v52 =	vand.u32 $0x380, v52;
	v55 =	vld.idx.msk [tilespmem:v50+s2+$0x0], $0xffff;
	vm2 =	vlt.s32 v48, $0x0;
	vm1 =	vge.s32 v51, $0x0;
	v43 =	vmovc v48  }
0xd7: {  	v48 =	vadd.s32 v13, v53;
	v49 =	vor.u32 v12, v52;
	vm3 =	vmand vm2, vm1  }
.Ltmp3:
0xd8: {  	v50 =	vor.u32 v14, v52;
	v49 =	vor.u32 v48, v49;
	v47 =	vsel vm3, v47, v43;
	(pc) =	sbr.rel @p0 .LBB2_8-.Ltmp3, $4  }
0xd9: {  	vm4 =	vlt.s32 v51, $0x0;
	vm1 =	vge.s32 v43, $0x0;
	v50 =	vor.u32 v48, v50  }
0xda: {  	vm2 =	vmxor vm2, vm4;
	vm1 =	vmand vm4, vm1;
	v44 =	vsel vm3, v43, v44  }
0xdb: {  	v52 =	vmov s18;
	v45 =	vsel vm2, v45, v43;
	v46 =	vsel vm1, v43, v46  }
0xdc: {  	s18 =	sadd.s32 $0x1, s18;
	v53 =	vshrl.u32 v52, $0x3;
	v48 =	vadd.f32 v55, v54;
	v51 =	vsub.f32 v54, v55  }
0xdd: {  	_ = 	snop  }
0xde: {  	v53 =	vmul.u32 $0xC00, v53;
	v52 =	vshll.u32 v52, $0x7  }
0xdf: {  	v52 =	vand.u32 $0x380, v52  }
0xe0: {  	v53 =	vadd.s32 v13, v53;
	v54 =	vor.u32 v12, v52  }
0xe1: {  	v49 =	vld.idx.msk [tilespmem:v49+s2+$0x0], $0xffff;
	v52 =	vor.u32 v14, v52;
	v54 =	vor.u32 v53, v54  }
0xe2: {  	v50 =	vld.idx.msk [tilespmem:v50+s2+$0x0], $0xffff;
	v42 =	vsel vm1, v42, v43;
	s18 =	simm.s32 $0x0;
	vm2 =	vlt.s32 v48, $0x0;
	v52 =	vor.u32 v53, v52  }
0xe3: {  	vm3 =	vge.s32 v51, $0x0;
	vm4 =	vge.s32 v48, $0x0;
	v60 =	vmov s18  }
0xe4: {  	vm1 =	vmand vm2, vm3;
	vm3 =	vlt.s32 v51, $0x0;
	v61 =	vshrl.u32 v60, $0x3  }
0xe5: {  	s29 =	simm.s32 $0x1;
	v63 =	vsel vm1, v47, v48;
	vm2 =	vmxor vm2, vm3;
	vm3 =	vmand vm3, vm4  }
0xe6: {  	v44 =	vsel vm1, v48, v44;
	v47 =	vshll.u32 v60, $0x7;
	v53 =	vmov s29;
	v56 =	vld.idx.msk [tilespmem:v54+s2+$0x0], $0xffff  }
0xe7: {  	v45 =	vsel vm2, v45, v48;
	v46 =	vsel vm3, v48, v46;
	v55 =	vadd.f32 v50, v49;
	v57 =	vld.idx.msk [tilespmem:v52+s2+$0x0], $0xffff  }
0xe8: {  	v42 =	vsel vm3, v42, v48;
	v47 =	vand.u32 $0x380, v47;
	v49 =	vsub.f32 v49, v50  }
0xe9: {  	v62 =	vor.u32 v15, v47;
	v47 =	vor.u32 v17, v47;
	vm1 =	vlt.s32 v55, $0x0  }
0xea: {  	vm2 =	vge.s32 v49, $0x0;
	vm13 =	vge.s32 v55, $0x0;
	vm5 =	vlt.s32 v49, $0x0  }
0xeb: {  	v49 =	vmul.u32 $0xC00, v61;
	vm2 =	vmand vm1, vm2;
	vm3 =	vmand vm5, vm13  }
0xec: {  	vm1 =	vmxor vm1, vm5;
	v58 =	vadd.f32 v57, v56;
	v59 =	vsub.f32 v56, v57  }
0xed: {  	v43 =	vsel vm2, v63, v55;
	v44 =	vsel vm2, v55, v44;
	v45 =	vsel vm1, v45, v55  }
0xee: {  	v46 =	vsel vm3, v55, v46;
	vm1 =	vlt.s32 v58, $0x0;
	vm2 =	vge.s32 v59, $0x0  }
0xef: {  	v42 =	vsel vm3, v42, v55;
	vm14 =	vlt.s32 v59, $0x0;
	vm2 =	vmand vm1, vm2  }
0xf0: {  	vm3 =	vge.s32 v58, $0x0;
	vm1 =	vmxor vm1, vm14;
	v44 =	vsel vm2, v58, v44  }
0xf1: {  	vm3 =	vmand vm14, vm3;
	v45 =	vsel vm1, v45, v58;
	v44 =	vmul.f32 $7.071067690e-01, v44  }
0xf2: {  	v49 =	vadd.s32 v16, v49;
	v42 =	vsel vm3, v42, v58;
	v45 =	vmul.f32 $7.071067690e-01, v45  }
0xf3: {  	v51 =	vor.u32 v49, v62;
	v43 =	vsel vm2, v43, v58;
	v42 =	vmul.f32 $7.071067690e-01, v42;
	[tilespmem:$0xC030] =	vst v44  }
0xf4: {  	v52 =	vor.u32 v49, v47;
	v46 =	vsel vm3, v58, v46;
	v43 =	vmul.f32 $7.071067690e-01, v43;
	[tilespmem:$0xC0B0] =	vst v45  }
0xf5: {  	v54 =	vshrl.u32 v53, $0x3;
	v63 =	vmul.f32 $7.071067690e-01, v46;
	[tilespmem:$0xC1B0] =	vst v42  }
0xf6: {  	[tilespmem:$0xC230] =	vst v43;
	v43 =	vmul.u32 $0xC00, v54;
	v42 =	vshll.u32 v53, $0x7  }
0xf7: {  	[tilespmem:$0xC130] =	vst v63;
	v42 =	vand.u32 $0x380, v42  }
0xf8: {  	v44 =	vld.idx.msk [tilespmem:v51+s2+$0x0], $0xffff;
	v43 =	vadd.s32 v16, v43;
	v55 =	vor.u32 v15, v42  }
0xf9: {  	s30 =	simm.s32 $0x2;
	v45 =	vld.idx.msk [tilespmem:v52+s2+$0x0], $0xffff;
	v42 =	vor.u32 v17, v42;
	v46 =	vor.u32 v43, v55  }
0xfa: {  	v57 =	vmov s30;
	v56 =	vor.u32 v43, v42  }
0xfb: {  	v48 =	vshll.u32 v57, $0x7;
	v58 =	vshrl.u32 v57, $0x3  }
0xfc: {  	s31 =	simm.s32 $0x3;
	v61 =	vand.u32 $0x380, v48;
	v59 =	vmul.u32 $0xC00, v58  }
0xfd: {  	v63 =	vor.u32 v15, v61;
	v52 =	vmov s31  }
0xfe: {  	v43 =	vadd.f32 v45, v44;
	v44 =	vsub.f32 v44, v45;
	v45 =	vadd.s32 v16, v59;
	v60 =	vld.idx.msk [tilespmem:v46+s2+$0x0], $0xffff  }
0xff: {  	v53 =	vshrl.u32 v52, $0x3;
	v42 =	vimm.f32 $0.0e+00;
	v49 =	vor.u32 v45, v63;
	v62 =	vld.idx.msk [tilespmem:v56+s2+$0x0], $0xffff  }
0x100: {  	vm2 =	vlt.s32 v43, $0x0;
	vm1 =	vge.s32 v44, $0x0;
	v46 =	vor.u32 v17, v61  }
0x101: {  	vm15 =	vlt.s32 v44, $0x0;
	vm3 =	vmand vm2, vm1;
	v50 =	vor.u32 v45, v46  }
0x102: {  	vm1 =	vge.s32 v43, $0x0;
	vm2 =	vmxor vm2, vm15;
	v47 =	vsel vm3, v42, v43  }
0x103: {  	vm1 =	vmand vm15, vm1;
	v44 =	vsel vm3, v43, v42;
	v45 =	vsel vm2, v42, v43  }
0x104: {  	s18 =	simm.s32 $0x4;
	v46 =	vsel vm1, v43, v42;
	v48 =	vadd.f32 v62, v60;
	v51 =	vsub.f32 v60, v62  }
.LBB2_10:
0x105: {  	p0 =	sne.s32 s18, $0x7F;
	v53 =	vmul.u32 $0xC00, v53;
	v52 =	vshll.u32 v52, $0x7;
	v54 =	vld.idx.msk [tilespmem:v49+s2+$0x0], $0xffff;
	v42 =	vsel vm1, v42, v43  }
0x106: {  	v52 =	vand.u32 $0x380, v52;
	v55 =	vld.idx.msk [tilespmem:v50+s2+$0x0], $0xffff;
	vm2 =	vlt.s32 v48, $0x0;
	vm1 =	vge.s32 v51, $0x0;
	v43 =	vmovc v48  }
0x107: {  	v48 =	vadd.s32 v16, v53;
	v49 =	vor.u32 v15, v52;
	vm3 =	vmand vm2, vm1  }
.Ltmp4:
0x108: {  	v50 =	vor.u32 v17, v52;
	v49 =	vor.u32 v48, v49;
	v47 =	vsel vm3, v47, v43;
	(pc) =	sbr.rel @p0 .LBB2_10-.Ltmp4, $4  }
0x109: {  	vm4 =	vlt.s32 v51, $0x0;
	vm1 =	vge.s32 v43, $0x0;
	v50 =	vor.u32 v48, v50  }
0x10a: {  	vm2 =	vmxor vm2, vm4;
	vm1 =	vmand vm4, vm1;
	v44 =	vsel vm3, v43, v44  }
0x10b: {  	v52 =	vmov s18;
	v45 =	vsel vm2, v45, v43;
	v46 =	vsel vm1, v43, v46  }
0x10c: {  	s18 =	sadd.s32 $0x1, s18;
	v53 =	vshrl.u32 v52, $0x3;
	v48 =	vadd.f32 v55, v54;
	v51 =	vsub.f32 v54, v55  }
0x10d: {  	_ = 	snop  }
0x10e: {  	v53 =	vmul.u32 $0xC00, v53;
	v52 =	vshll.u32 v52, $0x7  }
0x10f: {  	v52 =	vand.u32 $0x380, v52  }
0x110: {  	v53 =	vadd.s32 v16, v53;
	v54 =	vor.u32 v15, v52  }
0x111: {  	v49 =	vld.idx.msk [tilespmem:v49+s2+$0x0], $0xffff;
	v52 =	vor.u32 v17, v52;
	v54 =	vor.u32 v53, v54  }
0x112: {  	v50 =	vld.idx.msk [tilespmem:v50+s2+$0x0], $0xffff;
	v42 =	vsel vm1, v42, v43;
	s18 =	simm.s32 $0x0;
	vm2 =	vlt.s32 v48, $0x0;
	v52 =	vor.u32 v53, v52  }
0x113: {  	vm3 =	vge.s32 v51, $0x0;
	vm4 =	vge.s32 v48, $0x0;
	v60 =	vmov s18  }
0x114: {  	vm1 =	vmand vm2, vm3;
	vm3 =	vlt.s32 v51, $0x0;
	v61 =	vshrl.u32 v60, $0x3  }
0x115: {  	v63 =	vsel vm1, v47, v48;
	vm2 =	vmxor vm2, vm3;
	vm3 =	vmand vm3, vm4  }
0x116: {  	v44 =	vsel vm1, v48, v44;
	v47 =	vshll.u32 v60, $0x7;
	v45 =	vsel vm2, v45, v48;
	v56 =	vld.idx.msk [tilespmem:v54+s2+$0x0], $0xffff  }
0x117: {  	v47 =	vand.u32 $0x380, v47;
	v55 =	vadd.f32 v50, v49;
	v49 =	vsub.f32 v49, v50;
	v57 =	vld.idx.msk [tilespmem:v52+s2+$0x0], $0xffff  }
0x118: {  	v46 =	vsel vm3, v48, v46;
	v42 =	vsel vm3, v42, v48;
	v62 =	vor.u32 v18, v47  }
0x119: {  	v47 =	vor.u32 v21, v47;
	vm1 =	vlt.s32 v55, $0x0;
	vm2 =	vge.s32 v49, $0x0  }
0x11a: {  	vm13 =	vge.s32 v55, $0x0;
	vm5 =	vlt.s32 v49, $0x0;
	v49 =	vmul.u32 $0xC00, v61  }
0x11b: {  	s29 =	simm.s32 $0x1;
	vm2 =	vmand vm1, vm2;
	vm3 =	vmand vm5, vm13;
	vm1 =	vmxor vm1, vm5  }
0x11c: {  	v52 =	vmov s29;
	v58 =	vadd.f32 v57, v56;
	v59 =	vsub.f32 v56, v57  }
0x11d: {  	v43 =	vsel vm2, v63, v55;
	v44 =	vsel vm2, v55, v44;
	v45 =	vsel vm1, v45, v55  }
0x11e: {  	v46 =	vsel vm3, v55, v46;
	vm1 =	vlt.s32 v58, $0x0;
	vm2 =	vge.s32 v59, $0x0  }
0x11f: {  	v42 =	vsel vm3, v42, v55;
	vm14 =	vlt.s32 v59, $0x0;
	vm2 =	vmand vm1, vm2  }
0x120: {  	vm3 =	vge.s32 v58, $0x0;
	vm1 =	vmxor vm1, vm14;
	v44 =	vsel vm2, v58, v44  }
0x121: {  	vm3 =	vmand vm14, vm3;
	v45 =	vsel vm1, v45, v58;
	v44 =	vmul.f32 $7.071067690e-01, v44  }
0x122: {  	v49 =	vadd.s32 v20, v49;
	v42 =	vsel vm3, v42, v58;
	v45 =	vmul.f32 $7.071067690e-01, v45  }
0x123: {  	v50 =	vor.u32 v49, v62;
	v43 =	vsel vm2, v43, v58;
	v42 =	vmul.f32 $7.071067690e-01, v42;
	[tilespmem:$0xC040] =	vst v44  }
0x124: {  	v51 =	vor.u32 v49, v47;
	v46 =	vsel vm3, v58, v46;
	v43 =	vmul.f32 $7.071067690e-01, v43;
	[tilespmem:$0xC0C0] =	vst v45  }
0x125: {  	v53 =	vshrl.u32 v52, $0x3;
	v63 =	vmul.f32 $7.071067690e-01, v46;
	[tilespmem:$0xC1C0] =	vst v42  }
0x126: {  	[tilespmem:$0xC240] =	vst v43;
	v43 =	vmul.u32 $0xC00, v53;
	v42 =	vshll.u32 v52, $0x7  }
0x127: {  	[tilespmem:$0xC140] =	vst v63;
	v42 =	vand.u32 $0x380, v42  }
0x128: {  	s30 =	simm.s32 $0x2;
	v44 =	vld.idx.msk [tilespmem:v50+s2+$0x0], $0xffff;
	v43 =	vadd.s32 v20, v43;
	v54 =	vor.u32 v18, v42  }
0x129: {  	v56 =	vmov s30;
	v45 =	vld.idx.msk [tilespmem:v51+s2+$0x0], $0xffff;
	v42 =	vor.u32 v21, v42;
	v46 =	vor.u32 v43, v54  }
0x12a: {  	v57 =	vshrl.u32 v56, $0x3;
	v55 =	vor.u32 v43, v42  }
0x12b: {  	v48 =	vshll.u32 v56, $0x7;
	v58 =	vmul.u32 $0xC00, v57  }
0x12c: {  	v60 =	vand.u32 $0x380, v48  }
0x12d: {  	s31 =	simm.s32 $0x3;
	v62 =	vadd.s32 v20, v58;
	v63 =	vor.u32 v18, v60  }
0x12e: {  	v52 =	vmov s31;
	v43 =	vadd.f32 v45, v44;
	v44 =	vsub.f32 v44, v45;
	v59 =	vld.idx.msk [tilespmem:v46+s2+$0x0], $0xffff  }
0x12f: {  	v48 =	vor.u32 v62, v63;
	v53 =	vshrl.u32 v52, $0x3;
	v42 =	vimm.f32 $0.0e+00;
	v61 =	vld.idx.msk [tilespmem:v55+s2+$0x0], $0xffff  }
0x130: {  	vm2 =	vlt.s32 v43, $0x0;
	vm1 =	vge.s32 v44, $0x0;
	v46 =	vor.u32 v21, v60  }
0x131: {  	vm15 =	vlt.s32 v44, $0x0;
	vm3 =	vmand vm2, vm1;
	v49 =	vor.u32 v62, v46  }
0x132: {  	vm1 =	vge.s32 v43, $0x0;
	vm2 =	vmxor vm2, vm15;
	v45 =	vsel vm3, v42, v43  }
0x133: {  	vm1 =	vmand vm15, vm1;
	v44 =	vsel vm3, v43, v42;
	v46 =	vsel vm2, v42, v43  }
0x134: {  	s18 =	simm.s32 $0x4;
	v47 =	vsel vm1, v43, v42;
	v50 =	vadd.f32 v61, v59;
	v51 =	vsub.f32 v59, v61  }
.LBB2_12:
0x135: {  	p0 =	sne.s32 s18, $0x7F;
	v53 =	vmul.u32 $0xC00, v53;
	v52 =	vshll.u32 v52, $0x7;
	v54 =	vld.idx.msk [tilespmem:v48+s2+$0x0], $0xffff;
	v42 =	vsel vm1, v42, v43  }
0x136: {  	v52 =	vand.u32 $0x380, v52;
	v55 =	vld.idx.msk [tilespmem:v49+s2+$0x0], $0xffff;
	vm2 =	vlt.s32 v50, $0x0;
	vm1 =	vge.s32 v51, $0x0;
	v43 =	vmovc v50  }
0x137: {  	v49 =	vadd.s32 v20, v53;
	v48 =	vor.u32 v18, v52;
	vm3 =	vmand vm2, vm1  }
.Ltmp5:
0x138: {  	v50 =	vor.u32 v21, v52;
	v48 =	vor.u32 v49, v48;
	v45 =	vsel vm3, v45, v43;
	(pc) =	sbr.rel @p0 .LBB2_12-.Ltmp5, $4  }
0x139: {  	vm4 =	vlt.s32 v51, $0x0;
	vm1 =	vge.s32 v43, $0x0;
	v49 =	vor.u32 v49, v50  }
0x13a: {  	vm2 =	vmxor vm2, vm4;
	vm1 =	vmand vm4, vm1;
	v44 =	vsel vm3, v43, v44  }
0x13b: {  	v52 =	vmov s18;
	v46 =	vsel vm2, v46, v43;
	v47 =	vsel vm1, v43, v47  }
0x13c: {  	s18 =	sadd.s32 $0x1, s18;
	v53 =	vshrl.u32 v52, $0x3;
	v50 =	vadd.f32 v55, v54;
	v51 =	vsub.f32 v54, v55  }
0x13d: {  	v53 =	vmul.u32 $0xC00, v53;
	v52 =	vshll.u32 v52, $0x7  }
0x13e: {  	v52 =	vand.u32 $0x380, v52  }
0x13f: {  	v53 =	vadd.s32 v20, v53;
	v54 =	vor.u32 v18, v52  }
0x140: {  	v52 =	vor.u32 v21, v52;
	v54 =	vor.u32 v53, v54  }
0x141: {  	v48 =	vld.idx.msk [tilespmem:v48+s2+$0x0], $0xffff;
	v52 =	vor.u32 v53, v52  }
0x142: {  	v49 =	vld.idx.msk [tilespmem:v49+s2+$0x0], $0xffff;
	_ =	sdelay $0x1  }
0x143: {  	v42 =	vsel vm1, v42, v43  }
0x144: {  	vm2 =	vlt.s32 v50, $0x0;
	vm3 =	vge.s32 v51, $0x0;
	vm4 =	vlt.s32 v51, $0x0;
	v61 =	vld.idx.msk [tilespmem:v54+s2+$0x0], $0xffff  }
0x145: {  	vm1 =	vmand vm2, vm3;
	vm3 =	vge.s32 v50, $0x0;
	vm2 =	vmxor vm2, vm4;
	v62 =	vld.idx.msk [tilespmem:v52+s2+$0x0], $0xffff  }
0x146: {  	v45 =	vsel vm1, v45, v50;
	vm3 =	vmand vm4, vm3;
	v63 =	vadd.f32 v49, v48  }
0x147: {  	v44 =	vsel vm1, v50, v44;
	v46 =	vsel vm2, v46, v50;
	v48 =	vsub.f32 v48, v49  }
0x148: {  	v47 =	vsel vm3, v50, v47;
	v42 =	vsel vm3, v42, v50;
	vm1 =	vlt.s32 v63, $0x0  }
0x149: {  	vm2 =	vge.s32 v48, $0x0;
	vm3 =	vge.s32 v63, $0x0;
	vm14 =	vlt.s32 v48, $0x0  }
0x14a: {  	vm2 =	vmand vm1, vm2;
	v55 =	vadd.f32 v62, v61;
	v43 =	vsub.f32 v61, v62  }
0x14b: {  	vm3 =	vmand vm14, vm3;
	vm1 =	vmxor vm1, vm14;
	v44 =	vsel vm2, v63, v44  }
0x14c: {  	v46 =	vsel vm1, v46, v63;
	vm1 =	vlt.s32 v55, $0x0;
	vm15 =	vge.s32 v43, $0x0  }
0x14d: {  	v58 =	vsel vm3, v63, v47;
	vm6 =	vlt.s32 v43, $0x0;
	vm4 =	vmand vm1, vm15  }
0x14e: {  	v22 =	vld [tilespmem:$0x1FFF0];
	vm5 =	vge.s32 v55, $0x0;
	vm1 =	vmxor vm1, vm6;
	v56 =	vsel vm4, v55, v44  }
0x14f: {  	vm5 =	vmand vm6, vm5;
	v57 =	vsel vm1, v46, v55;
	v43 =	vmul.f32 $7.071067690e-01, v56  }
0x150: {  	v42 =	vsel vm3, v42, v63;
	v46 =	vsel vm5, v55, v58;
	v44 =	vmul.f32 $7.071067690e-01, v57  }
0x151: {  	v45 =	vsel vm2, v45, v63;
	v42 =	vsel vm5, v42, v55;
	v59 =	vmul.f32 $7.071067690e-01, v46;
	[tilespmem:$0xC050] =	vst v43  }
0x152: {  	v45 =	vsel vm4, v45, v55;
	v42 =	vmul.f32 $7.071067690e-01, v42;
	[tilespmem:$0xC0D0] =	vst v44  }
0x153: {  	v60 =	vmul.f32 $7.071067690e-01, v45;
	[tilespmem:$0xC150] =	vst v59  }
0x154: {  	[tilespmem:$0xC1D0] =	vst v42  }
0x155: {  	[tilespmem:$0xC250] =	vst v60  }
0x156: {  	v42 =	vld.idx.msk [tilespmem:v22+s9+$0x0], $0xffff  }
0x157: {  	v43 =	vld.idx.msk [tilespmem:v19+s10+$0x0], $0xffff  }
0x158: {  	s18 =	simm.s32 $0x0;
	v44 =	vld.idx.msk [tilespmem:v19+s12+$0x0], $0xffff  }
0x159: {  	v61 =	vld.idx.msk [tilespmem:v25+s18+$0x0], $0xffff  }
0x15a: {  	v62 =	vld.idx.msk [tilespmem:v26+s18+$0x0], $0xffff  }
0x15b: {  	v63 =	vld.idx.msk [tilespmem:v24+s11+$0x0], $0xffff;
	_ =	sdelay $0x1  }
0x15c: {  	v42 =	vadd.f32 v43, v42;
	_ =	sdelay $0x1  }
0x15d: {  	v46 =	vsub.f32 v61, v62;
	v42 =	vsel vm0, v44, v42  }
0x15e: {  	v42 =	vadd.f32 v42, v63  }
0x15f: {  	v43 =	vmul.f32 $7.071067690e-01, v46  }
0x160: {  	[tilespmem:v1+s14+$0x0] =	vst.idx.msk $0xffff, v42  }
0x161: {  	[tilespmem:v2+s14+$0x0] =	vst.idx.msk $0xffff, v43  }
0x162: {  	v42 =	vld.idx.msk [tilespmem:v27+s9+$0x0], $0xffff  }
0x163: {  	v43 =	vld.idx.msk [tilespmem:v23+s10+$0x0], $0xffff  }
0x164: {  	v48 =	vld.idx.msk [tilespmem:v30+s18+$0x0], $0xffff  }
0x165: {  	v49 =	vld.idx.msk [tilespmem:v31+s18+$0x0], $0xffff  }
0x166: {  	v50 =	vld.idx.msk [tilespmem:v29+s11+$0x0], $0xffff;
	_ =	sdelay $0x1  }
0x167: {  	v51 =	vor.u32 $0x20, v1  }
0x168: {  	v52 =	vor.u32 $0x21, v1;
	v42 =	vadd.f32 v43, v42  }
0x169: {  	v44 =	vsub.f32 v48, v49  }
0x16a: {  	v42 =	vadd.f32 v50, v42  }
0x16b: {  	v44 =	vmul.f32 $7.071067690e-01, v44  }
0x16c: {  	[tilespmem:v51+s14+$0x0] =	vst.idx.msk $0xffff, v42  }
0x16d: {  	[tilespmem:v52+s14+$0x0] =	vst.idx.msk $0xffff, v44  }
0x16e: {  	v42 =	vld.idx.msk [tilespmem:v32+s9+$0x0], $0xffff  }
0x16f: {  	v43 =	vld.idx.msk [tilespmem:v28+s10+$0x0], $0xffff  }
0x170: {  	v44 =	vld.idx.msk [tilespmem:v35+s18+$0x0], $0xffff  }
0x171: {  	v53 =	vld.idx.msk [tilespmem:v36+s18+$0x0], $0xffff  }
0x172: {  	v54 =	vld.idx.msk [tilespmem:v34+s11+$0x0], $0xffff;
	_ =	sdelay $0x1  }
0x173: {  	v55 =	vor.u32 $0x40, v1  }
0x174: {  	v56 =	vor.u32 $0x41, v1;
	v42 =	vadd.f32 v43, v42  }
0x175: {  	v44 =	vsub.f32 v44, v53  }
0x176: {  	v42 =	vadd.f32 v54, v42  }
0x177: {  	v44 =	vmul.f32 $7.071067690e-01, v44  }
0x178: {  	[tilespmem:v55+s14+$0x0] =	vst.idx.msk $0xffff, v42  }
0x179: {  	[tilespmem:v56+s14+$0x0] =	vst.idx.msk $0xffff, v44  }
0x17a: {  	v42 =	vld.idx.msk [tilespmem:v37+s9+$0x0], $0xffff  }
0x17b: {  	v43 =	vld.idx.msk [tilespmem:v33+s10+$0x0], $0xffff  }
0x17c: {  	v44 =	vld.idx.msk [tilespmem:v38+s11+$0x0], $0xffff  }
0x17d: {  	v57 =	vld.idx.msk [tilespmem:v33+s13+$0x0], $0xffff  }
0x17e: {  	v58 =	vld.idx.msk [tilespmem:v40+s18+$0x0], $0xffff  }
0x17f: {  	v47 =	vld.idx.msk [tilespmem:v41+s18+$0x0], $0xffff;
	_ =	sdelay $0x2  }
0x180: {  	v59 =	vmul.u32 $0xFFFFFFFF, v0;
	v60 =	vor.u32 $0x60, v1;
	v43 =	vadd.f32 v43, v42  }
0x181: {  	v61 =	vor.u32 $0x61, v1;
	v42 =	vadd.f32 v57, v42  }
0x182: {  	v48 =	vadd.s32 $0x7FF, v59;
	v62 =	vsub.f32 v58, v47;
	v43 =	vadd.f32 v44, v43  }
0x183: {  	vm1 =	veq.s32 v39, v48  }
0x184: {  	v63 =	vmul.f32 $7.071067690e-01, v62;
	v42 =	vsel vm1, v42, v43  }
0x185: {  	[tilespmem:v60+s14+$0x0] =	vst.idx.msk $0xffff, v42  }
0x186: {  	[tilespmem:v61+s14+$0x0] =	vst.idx.msk $0xffff, v63  }
0x187: {  	v42 =	vld [tilespmem:$0xC280]  }
0x188: {  	s18 =	simm.s32 $0x0;
	v45 =	vld [tilespmem:$0xC290]  }
0x189: {  	v50 =	vor.u32 $0x10, v0;
	v56 =	vor.u32 s18, v0;
	v43 =	vld [tilespmem:$0xC2A0]  }
0x18a: {  	v51 =	vor.u32 $0x20, v0;
	v58 =	vor.u32 s18, v50;
	v44 =	vld [tilespmem:$0xC2B0]  }
0x18b: {  	v52 =	vor.u32 $0x30, v0;
	v59 =	vor.u32 s18, v51;
	v46 =	vld [tilespmem:$0xC2C0]  }
0x18c: {  	v53 =	vor.u32 $0x40, v0;
	v55 =	vor.u32 s18, v52;
	v47 =	vld [tilespmem:$0xC2D0]  }
0x18d: {  	v54 =	vor.u32 $0x50, v0;
	v57 =	vor.u32 s18, v53;
	v48 =	vld [tilespmem:$0xC2E0]  }
0x18e: {  	v60 =	vor.u32 s18, v54;
	v49 =	vld [tilespmem:$0xC2F0];
	[tilespmem:v56+s15+$0x0] =	vst.idx.msk $0xffff, v42;
	v56 =	vor.u32 $0x60, v0  }
0x18f: {  	s19 =	simm.s32 $0x1;
	[tilespmem:v58+s15+$0x0] =	vst.idx.msk $0xffff, v45;
	v61 =	vor.u32 s18, v56;
	v58 =	vor.u32 $0x70, v0  }
.LBB2_14:
0x190: {  	p0 =	sne.s32 s19, $0x7F;
	[tilespmem:v59+s15+$0x0] =	vst.idx.msk $0xffff, v43;
	v62 =	vor.u32 s18, v58;
	s18 =	sshll.u32 s19, $0x7;
	s19 =	sadd.s32 $0x1, s19  }
0x191: {  	v63 =	vor.u32 s18, v0;
	[tilespmem:v55+s15+$0x0] =	vst.idx.msk $0xffff, v44  }
0x192: {  	v22 =	vor.u32 s18, v50;
	[tilespmem:v57+s15+$0x0] =	vst.idx.msk $0xffff, v46  }
.Ltmp6:
0x193: {  	v59 =	vor.u32 s18, v51;
	[tilespmem:v60+s15+$0x0] =	vst.idx.msk $0xffff, v47;
	(pc) =	sbr.rel @p0 .LBB2_14-.Ltmp6, $4  }
0x194: {  	v55 =	vor.u32 s18, v52;
	[tilespmem:v61+s15+$0x0] =	vst.idx.msk $0xffff, v48  }
0x195: {  	v57 =	vor.u32 s18, v53;
	[tilespmem:v62+s15+$0x0] =	vst.idx.msk $0xffff, v49  }
0x196: {  	v60 =	vor.u32 s18, v54;
	[tilespmem:v63+s15+$0x0] =	vst.idx.msk $0xffff, v42  }
0x197: {  	v61 =	vor.u32 s18, v56;
	[tilespmem:v22+s15+$0x0] =	vst.idx.msk $0xffff, v45  }
0x198: {  	_ =	sdelay $0x3  }
0x199: {  	[tilespmem:v59+s15+$0x0] =	vst.idx.msk $0xffff, v43;
	v22 =	vor.u32 s18, v58  }
0x19a: {  	[tilespmem:v55+s15+$0x0] =	vst.idx.msk $0xffff, v44  }
0x19b: {  	[tilespmem:v57+s15+$0x0] =	vst.idx.msk $0xffff, v46  }
0x19c: {  	s17 =	sadd.s32 $0x1, s17;
	[tilespmem:v60+s15+$0x0] =	vst.idx.msk $0xffff, v47  }
0x19d: {  	p0 =	sne.s32 s17, s5;
	[tilespmem:v61+s15+$0x0] =	vst.idx.msk $0xffff, v48  }
.Ltmp7:
0x19e: {  	[tilespmem:v22+s15+$0x0] =	vst.idx.msk $0xffff, v49;
	(pc) =	sbr.rel @p0 .LBB2_1-.Ltmp7, $4  }
0x19f: {  	[hbm4b:s4+s16] =	stream.strided.scatter [tilespmem:s15], [sflag:$0x1], $0x4000, s7, s16, $0x38;
	[tilespmem:$0x10300] =	vst v63  }
0x1a0: {  	_ =	swait.ge [sflag:s8], $0x4000  }
0x1a1: {  	[sflag:s8] =	ssyncset.done $0x0  }
0x1a2: {  	[sflag:s8] =	ssyncadd.s32 $0xFFFFC000  }
0x1a3: {  	_ =	sfence.sel $0x180000  }
0x1a4: {  	[bflag:$0x0] =	sbarrier.arrive $0xFFFF  }
0x1a5: {  	p0 =	sne.s32 s0, $0x0;
	_ =	strace $0x90000047  }
0x1a6: {  	s0 =	sadd.s32 @!p0 $0x100000, s1;
	[bflag:$0x2] =	sbarrier.arrive $0xFFFF  }
0x1a7: {  	[sflag:s0] =	ssyncadd.tile.s32 @!p0 $0x1;
	_ =	shalt  }
.Lfunc_end2:
_tile_overlayer_lowered:
.L_overlay_start_2:
0x1a8: {  	(tag) =	ssettag $0x2  }
0x1a9: {  	s0 =	rddreg [dreg:$0x0];
	s2 =	stileid.u32  }
0x1aa: {  	s1 =	rddreg [dreg:$0x1];
	p0 =	sne.s32 s2, $0x0  }
0x1ab: {  	s3 =	rddreg [dreg:$0x2];
	[bflag:$0x3] =	sbarrier.arrive $0xFFFF;
	s2 =	simm.s32 @!p0 $0x1C01  }
0x1ac: {  	[timem:s3], [sflag:s2] =	dma.local @!p0 [hbm:s0], s1  }
0x1ad: {  	s0 =	simm.s32 @!p0 $0x1  }
0x1ae: {  	_ =	swait.ge @!p0 [sflag:s0], s1  }
0x1af: {  	s1 =	ssub.s32 @!p0 $0x0, s1;
	[sflag:s0] =	ssyncset.done @!p0 $0x0  }
0x1b0: {  	[sflag:s0] =	ssyncadd.s32 @!p0 s1  }
0x1b1: {  	[bflag:$0x3] =	sbarrier.arrive $0xFFFF  }
0x1b2: {  	_ =	shalt  }

</sc_bundles>
